<compile_context>
chip_gen: v7x
topology: tpu7x:2x2x1
jax: 0.10.2.dev20260603
libtpu: 0.0.44.dev20260713+nightly
codegen_flags: <defaults>
</compile_context>

<pallas_src>
import jax
import jax.numpy as jnp
from jax import lax
from jax.experimental import pallas as pl
from jax.experimental.pallas import tpu as pltpu
from jax.experimental.pallas import tpu_sc as plsc

NUM_ROWS = 100000
DIM = 128
BATCH = 16384
SEQ = 50

ROWS_PER_CHUNK = 2
CHUNK = ROWS_PER_CHUNK * SEQ
NUM_CHUNKS = BATCH // ROWS_PER_CHUNK
NC, NS = 2, 16
NW = NC * NS
CHUNKS_PER_W = NUM_CHUNKS // NW
NBUF = 4
GROUPS = CHUNKS_PER_W // NBUF


def _body(idx_hbm, table_hbm, out_hbm, idx_v, bufs, *sems):
    gsem = sems[:NBUF]
    osem = sems[NBUF:]
    wid = lax.axis_index("s") * NC + lax.axis_index("c")
    chunk_base = wid * CHUNKS_PER_W

    pltpu.sync_copy(idx_hbm.at[pl.ds(chunk_base, CHUNKS_PER_W)], idx_v)

    row_base = chunk_base * ROWS_PER_CHUNK

    def start_gather(j, b):
        pltpu.async_copy(table_hbm.at[idx_v.at[j]], bufs.at[b], gsem[b])

    def wait_gather(j, b):
        pltpu.make_async_copy(table_hbm.at[idx_v.at[j]], bufs.at[b], gsem[b]).wait()

    def start_out(j, b):
        row = row_base + j * ROWS_PER_CHUNK
        for r in range(ROWS_PER_CHUNK):
            pltpu.async_copy(
                bufs.at[b].at[pl.ds(r * SEQ, SEQ)], out_hbm.at[row + r], osem[b])

    def wait_out(j, b):
        row = row_base + j * ROWS_PER_CHUNK
        for r in range(ROWS_PER_CHUNK):
            pltpu.make_async_copy(
                bufs.at[b].at[pl.ds(r * SEQ, SEQ)], out_hbm.at[row + r], osem[b]).wait()

    for b in range(NBUF):
        start_gather(b, b)

    @pl.loop(0, GROUPS - 1)
    def _(g):
        for b in range(NBUF):
            j = g * NBUF + b
            wait_gather(j, b)
            start_out(j, b)
        for b in range(NBUF):
            j = g * NBUF + b
            wait_out(j, b)
            start_gather(j + NBUF, b)

    for b in range(NBUF):
        j = (GROUPS - 1) * NBUF + b
        wait_gather(j, b)
        start_out(j, b)
    for b in range(NBUF):
        j = (GROUPS - 1) * NBUF + b
        wait_out(j, b)


def _make_kernel():
    mesh = plsc.VectorSubcoreMesh(core_axis_name="c", subcore_axis_name="s")
    return pl.kernel(
        _body,
        out_type=jax.ShapeDtypeStruct((BATCH, SEQ, DIM), jnp.float32),
        mesh=mesh,
        scratch_types=[
            pltpu.VMEM((CHUNKS_PER_W, CHUNK), jnp.int32),
            pltpu.VMEM((NBUF, CHUNK, DIM), jnp.float32),
        ] + [pltpu.SemaphoreType.DMA] * (2 * NBUF),
    )


def kernel(input_, weight):
    idx = input_.astype(jnp.int32).reshape(NUM_CHUNKS, CHUNK)
    return _make_kernel()(idx, weight)

# --- scband reference (transcript-rebuilt; emitter-appended) ---
"""Pipeline reference for scband-embedding1-d-77850577207480 (READ-ONLY COPY).

The authoritative reference and input builder live on the scoring server;
editing this copy changes nothing except your own understanding.
"""

import jax, jax.numpy as jnp
import numpy as np

NUM_EMBEDDINGS = 100000
EMBED_DIM = 128

def setup_inputs(seed: int = 0) -> dict:
    key = jax.random.key(seed)
    k_idx, k_w = jax.random.split(key)
    input_ = jax.random.randint(k_idx, (16384, 50), 0, NUM_EMBEDDINGS, dtype=jnp.int64)
    weight = jax.random.normal(k_w, (NUM_EMBEDDINGS, EMBED_DIM), dtype=jnp.float32) * 0.02
    return {"input_": input_, "weight": weight}

def reference(input_, weight):
    # F.embedding(input_, weight) with padding_idx=None -> plain gather along rows.
    # Tensor-parallel column split + gather_forward_split_backward(dim=-1) reconstructs
    # the full embedding_dim, so the math equals a full-table lookup.
    output = jnp.take(weight, input_, axis=0)
    return output

if __name__ == "__main__":
    import jax
    _d = setup_inputs()
    print(jax.jit(kernel)(*tuple(_d.values())))

</pallas_src>

<mosaic_0001>
#map = affine_map<(d0, d1) -> (0, 0)>
#map1 = affine_map<(d0, d1) -> (0, 0, 0)>
module attributes {stable_mosaic.version = 14 : i64} {
  func.func @_body(%arg0: i32, %arg1: i32, %arg2: memref<8192x100xi32, #tpu.memory_space<hbm>>, %arg3: memref<100000x128xf32, #tpu.memory_space<hbm>>, %arg4: memref<16384x50x128xf32, #tpu.memory_space<hbm>>, %arg5: memref<256x100xi32, #tpu.memory_space<vmem>>, %arg6: memref<4x100x128xf32, #tpu.memory_space<vmem>>, %arg7: memref<!tpu.dma_semaphore, #tpu.memory_space<semaphore_mem>>, %arg8: memref<!tpu.dma_semaphore, #tpu.memory_space<semaphore_mem>>, %arg9: memref<!tpu.dma_semaphore, #tpu.memory_space<semaphore_mem>>, %arg10: memref<!tpu.dma_semaphore, #tpu.memory_space<semaphore_mem>>, %arg11: memref<!tpu.dma_semaphore, #tpu.memory_space<semaphore_mem>>, %arg12: memref<!tpu.dma_semaphore, #tpu.memory_space<semaphore_mem>>, %arg13: memref<!tpu.dma_semaphore, #tpu.memory_space<semaphore_mem>>, %arg14: memref<!tpu.dma_semaphore, #tpu.memory_space<semaphore_mem>>) attributes {dimension_semantics = [#tpu.dimension_semantics<core_parallel>, #tpu.dimension_semantics<subcore_parallel>], iteration_bounds = array<i64: 2, 16>, scalar_prefetch = 0 : i64, scratch_operands = 10 : i64, tpu.core_type = #tpu.core_type<sc_vector_subcore>, window_params = [{transform_indices = #map}, {transform_indices = #map}, {transform_indices = #map1}]} {
    %mul3A = arith.constant 2 : i32
    %mul3A_0 = arith.muli %arg1, %mul3A : i32
    %add3A = arith.addi %mul3A_0, %arg0 : i32
    %mul3A_1 = arith.constant 256 : i32
    %mul3A_2 = arith.muli %add3A, %mul3A_1 : i32
    "tpu.region"() ({
      %run_scoped3A = tpu.sem_alloc : memref<!tpu.dma_semaphore, #tpu.memory_space<semaphore_mem>>
      %dma_start3A_519 = arith.constant 0 : i32
      %dma_start3A_520 = tpu.memref_slice %arg2[%mul3A_2, %dma_start3A_519] : memref<8192x100xi32, #tpu.memory_space<hbm>> -> memref<256x100xi32, #tpu.memory_space<hbm>>
      %dma_start3A_521 = arith.constant 0 : i32
      %dma_start3A_522 = tpu.memref_slice %arg2[%mul3A_2, %dma_start3A_521] : memref<8192x100xi32, #tpu.memory_space<hbm>> -> memref<256x100xi32, #tpu.memory_space<hbm>>
      tpu.enqueue_dma source(%dma_start3A_522 : memref<256x100xi32, #tpu.memory_space<hbm>>) target(%arg5 : memref<256x100xi32, #tpu.memory_space<vmem>>) target_semaphore(%run_scoped3A : memref<!tpu.dma_semaphore, #tpu.memory_space<semaphore_mem>>)
      %dma_wait3A_523 = arith.constant 0 : i32
      %dma_wait3A_524 = tpu.memref_slice %arg2[%mul3A_2, %dma_wait3A_523] : memref<8192x100xi32, #tpu.memory_space<hbm>> -> memref<256x100xi32, #tpu.memory_space<hbm>>
      %dma_wait3A_525 = arith.constant 0 : i32
      %dma_wait3A_526 = tpu.memref_slice %arg2[%mul3A_2, %dma_wait3A_525] : memref<8192x100xi32, #tpu.memory_space<hbm>> -> memref<256x100xi32, #tpu.memory_space<hbm>>
      tpu.wait_dma2 semaphore(%run_scoped3A : memref<!tpu.dma_semaphore, #tpu.memory_space<semaphore_mem>>) src(%dma_wait3A_526 : memref<256x100xi32, #tpu.memory_space<hbm>>) dst(%arg5 : memref<256x100xi32, #tpu.memory_space<vmem>>)
      tpu.yield
    }) : () -> ()
    %mul3A_3 = arith.constant 2 : i32
    %mul3A_4 = arith.muli %mul3A_2, %mul3A_3 : i32
    %dma_start3A = arith.constant 0 : i32
    %dma_start3A_5 = arith.constant 0 : i32
    %dma_start3A_6 = arith.constant 0 : i32
    %dma_start3A_7 = arith.constant 0 : i32
    %dma_start3A_8 = tpu.memref_slice %arg6[%dma_start3A_5, %dma_start3A_6, %dma_start3A_7] : memref<4x100x128xf32, #tpu.memory_space<vmem>> -> memref<1x100x128xf32, #tpu.memory_space<vmem>>
    %dma_start3A_9 = tpu.memref_squeeze %dma_start3A_8 : memref<1x100x128xf32, #tpu.memory_space<vmem>> -> memref<100x128xf32, #tpu.memory_space<vmem>>
    %dma_start3A_10 = arith.constant 0 : i32
    %dma_start3A_11 = tpu.memref_slice %arg5[%dma_start3A, %dma_start3A_10] : memref<256x100xi32, #tpu.memory_space<vmem>> -> memref<1x100xi32, #tpu.memory_space<vmem>>
    %dma_start3A_12 = tpu.memref_squeeze %dma_start3A_11 : memref<1x100xi32, #tpu.memory_space<vmem>> -> memref<100xi32, #tpu.memory_space<vmem>>
    %dma_start3A_13 = arith.constant 0 : i32
    %dma_start3A_14 = arith.constant 0 : i32
    %dma_start3A_15 = tpu.memref_slice %arg3[%dma_start3A_13, %dma_start3A_14] : memref<100000x128xf32, #tpu.memory_space<hbm>> -> memref<100000x128xf32, #tpu.memory_space<hbm>>
    tpu.enqueue_indirect_dma source(%dma_start3A_15 : memref<100000x128xf32, #tpu.memory_space<hbm>>) target(%dma_start3A_9 : memref<100x128xf32, #tpu.memory_space<vmem>>) offsets(%dma_start3A_12 : memref<100xi32, #tpu.memory_space<vmem>>) semaphore(%arg7 : memref<!tpu.dma_semaphore, #tpu.memory_space<semaphore_mem>>)
    %dma_start3A_16 = arith.constant 1 : i32
    %dma_start3A_17 = arith.constant 1 : i32
    %dma_start3A_18 = arith.constant 0 : i32
    %dma_start3A_19 = arith.constant 0 : i32
    %dma_start3A_20 = tpu.memref_slice %arg6[%dma_start3A_17, %dma_start3A_18, %dma_start3A_19] : memref<4x100x128xf32, #tpu.memory_space<vmem>> -> memref<1x100x128xf32, #tpu.memory_space<vmem>>
    %dma_start3A_21 = tpu.memref_squeeze %dma_start3A_20 : memref<1x100x128xf32, #tpu.memory_space<vmem>> -> memref<100x128xf32, #tpu.memory_space<vmem>>
    %dma_start3A_22 = arith.constant 0 : i32
    %dma_start3A_23 = tpu.memref_slice %arg5[%dma_start3A_16, %dma_start3A_22] : memref<256x100xi32, #tpu.memory_space<vmem>> -> memref<1x100xi32, #tpu.memory_space<vmem>>
    %dma_start3A_24 = tpu.memref_squeeze %dma_start3A_23 : memref<1x100xi32, #tpu.memory_space<vmem>> -> memref<100xi32, #tpu.memory_space<vmem>>
    %dma_start3A_25 = arith.constant 0 : i32
    %dma_start3A_26 = arith.constant 0 : i32
    %dma_start3A_27 = tpu.memref_slice %arg3[%dma_start3A_25, %dma_start3A_26] : memref<100000x128xf32, #tpu.memory_space<hbm>> -> memref<100000x128xf32, #tpu.memory_space<hbm>>
    tpu.enqueue_indirect_dma source(%dma_start3A_27 : memref<100000x128xf32, #tpu.memory_space<hbm>>) target(%dma_start3A_21 : memref<100x128xf32, #tpu.memory_space<vmem>>) offsets(%dma_start3A_24 : memref<100xi32, #tpu.memory_space<vmem>>) semaphore(%arg8 : memref<!tpu.dma_semaphore, #tpu.memory_space<semaphore_mem>>)
    %dma_start3A_28 = arith.constant 2 : i32
    %dma_start3A_29 = arith.constant 2 : i32
    %dma_start3A_30 = arith.constant 0 : i32
    %dma_start3A_31 = arith.constant 0 : i32
    %dma_start3A_32 = tpu.memref_slice %arg6[%dma_start3A_29, %dma_start3A_30, %dma_start3A_31] : memref<4x100x128xf32, #tpu.memory_space<vmem>> -> memref<1x100x128xf32, #tpu.memory_space<vmem>>
    %dma_start3A_33 = tpu.memref_squeeze %dma_start3A_32 : memref<1x100x128xf32, #tpu.memory_space<vmem>> -> memref<100x128xf32, #tpu.memory_space<vmem>>
    %dma_start3A_34 = arith.constant 0 : i32
    %dma_start3A_35 = tpu.memref_slice %arg5[%dma_start3A_28, %dma_start3A_34] : memref<256x100xi32, #tpu.memory_space<vmem>> -> memref<1x100xi32, #tpu.memory_space<vmem>>
    %dma_start3A_36 = tpu.memref_squeeze %dma_start3A_35 : memref<1x100xi32, #tpu.memory_space<vmem>> -> memref<100xi32, #tpu.memory_space<vmem>>
    %dma_start3A_37 = arith.constant 0 : i32
    %dma_start3A_38 = arith.constant 0 : i32
    %dma_start3A_39 = tpu.memref_slice %arg3[%dma_start3A_37, %dma_start3A_38] : memref<100000x128xf32, #tpu.memory_space<hbm>> -> memref<100000x128xf32, #tpu.memory_space<hbm>>
    tpu.enqueue_indirect_dma source(%dma_start3A_39 : memref<100000x128xf32, #tpu.memory_space<hbm>>) target(%dma_start3A_33 : memref<100x128xf32, #tpu.memory_space<vmem>>) offsets(%dma_start3A_36 : memref<100xi32, #tpu.memory_space<vmem>>) semaphore(%arg9 : memref<!tpu.dma_semaphore, #tpu.memory_space<semaphore_mem>>)
    %dma_start3A_40 = arith.constant 3 : i32
    %dma_start3A_41 = arith.constant 3 : i32
    %dma_start3A_42 = arith.constant 0 : i32
    %dma_start3A_43 = arith.constant 0 : i32
    %dma_start3A_44 = tpu.memref_slice %arg6[%dma_start3A_41, %dma_start3A_42, %dma_start3A_43] : memref<4x100x128xf32, #tpu.memory_space<vmem>> -> memref<1x100x128xf32, #tpu.memory_space<vmem>>
    %dma_start3A_45 = tpu.memref_squeeze %dma_start3A_44 : memref<1x100x128xf32, #tpu.memory_space<vmem>> -> memref<100x128xf32, #tpu.memory_space<vmem>>
    %dma_start3A_46 = arith.constant 0 : i32
    %dma_start3A_47 = tpu.memref_slice %arg5[%dma_start3A_40, %dma_start3A_46] : memref<256x100xi32, #tpu.memory_space<vmem>> -> memref<1x100xi32, #tpu.memory_space<vmem>>
    %dma_start3A_48 = tpu.memref_squeeze %dma_start3A_47 : memref<1x100xi32, #tpu.memory_space<vmem>> -> memref<100xi32, #tpu.memory_space<vmem>>
    %dma_start3A_49 = arith.constant 0 : i32
    %dma_start3A_50 = arith.constant 0 : i32
    %dma_start3A_51 = tpu.memref_slice %arg3[%dma_start3A_49, %dma_start3A_50] : memref<100000x128xf32, #tpu.memory_space<hbm>> -> memref<100000x128xf32, #tpu.memory_space<hbm>>
    tpu.enqueue_indirect_dma source(%dma_start3A_51 : memref<100000x128xf32, #tpu.memory_space<hbm>>) target(%dma_start3A_45 : memref<100x128xf32, #tpu.memory_space<vmem>>) offsets(%dma_start3A_48 : memref<100xi32, #tpu.memory_space<vmem>>) semaphore(%arg10 : memref<!tpu.dma_semaphore, #tpu.memory_space<semaphore_mem>>)
    %scan3A = arith.constant 0 : i32
    %scan3A_52 = arith.constant 63 : i32
    %scan3A_53 = arith.addi %scan3A, %scan3A_52 : i32
    %scan3A_54 = arith.constant 1 : i32
    scf.for %scan3A_519 = %scan3A to %scan3A_53 step %scan3A_54  : i32 {
      %mul3A_520 = arith.constant 1 : i32
      %mul3A_521 = arith.muli %scan3A_519, %mul3A_520 : i32
      %add3A_522 = arith.constant 0 : i32
      %add3A_523 = arith.addi %add3A_522, %mul3A_521 : i32
      %mul3A_524 = arith.constant 4 : i32
      %mul3A_525 = arith.muli %add3A_523, %mul3A_524 : i32
      %add3A_526 = arith.constant 0 : i32
      %add3A_527 = arith.addi %mul3A_525, %add3A_526 : i32
      %dma_wait3A_528 = arith.constant 0 : i32
      %dma_wait3A_529 = arith.constant 0 : i32
      %dma_wait3A_530 = arith.constant 0 : i32
      %dma_wait3A_531 = tpu.memref_slice %arg6[%dma_wait3A_528, %dma_wait3A_529, %dma_wait3A_530] : memref<4x100x128xf32, #tpu.memory_space<vmem>> -> memref<1x100x128xf32, #tpu.memory_space<vmem>>
      %dma_wait3A_532 = tpu.memref_squeeze %dma_wait3A_531 : memref<1x100x128xf32, #tpu.memory_space<vmem>> -> memref<100x128xf32, #tpu.memory_space<vmem>>
      %dma_wait3A_533 = arith.constant 0 : i32
      %dma_wait3A_534 = tpu.memref_slice %arg5[%add3A_527, %dma_wait3A_533] : memref<256x100xi32, #tpu.memory_space<vmem>> -> memref<1x100xi32, #tpu.memory_space<vmem>>
      %dma_wait3A_535 = tpu.memref_squeeze %dma_wait3A_534 : memref<1x100xi32, #tpu.memory_space<vmem>> -> memref<100xi32, #tpu.memory_space<vmem>>
      %dma_wait3A_536 = arith.constant 0 : i32
      %dma_wait3A_537 = arith.constant 0 : i32
      %dma_wait3A_538 = tpu.memref_slice %arg3[%dma_wait3A_536, %dma_wait3A_537] : memref<100000x128xf32, #tpu.memory_space<hbm>> -> memref<100000x128xf32, #tpu.memory_space<hbm>>
      tpu.wait_indirect_dma semaphore(%arg7 : memref<!tpu.dma_semaphore, #tpu.memory_space<semaphore_mem>>) src(%dma_wait3A_538 : memref<100000x128xf32, #tpu.memory_space<hbm>>) dst(%dma_wait3A_532 : memref<100x128xf32, #tpu.memory_space<vmem>>)
      %mul3A_539 = arith.constant 2 : i32
      %mul3A_540 = arith.muli %add3A_527, %mul3A_539 : i32
      %add3A_541 = arith.addi %mul3A_4, %mul3A_540 : i32
      %add3A_542 = arith.constant 0 : i32
      %add3A_543 = arith.addi %add3A_541, %add3A_542 : i32
      %dma_start3A_544 = arith.constant 0 : i32
      %dma_start3A_545 = arith.constant 0 : i32
      %dma_start3A_546 = arith.constant 0 : i32
      %dma_start3A_547 = tpu.memref_slice %arg6[%dma_start3A_544, %dma_start3A_545, %dma_start3A_546] : memref<4x100x128xf32, #tpu.memory_space<vmem>> -> memref<1x100x128xf32, #tpu.memory_space<vmem>>
      %dma_start3A_548 = tpu.memref_squeeze %dma_start3A_547 : memref<1x100x128xf32, #tpu.memory_space<vmem>> -> memref<100x128xf32, #tpu.memory_space<vmem>>
      %dma_start3A_549 = arith.constant 0 : i32
      %dma_start3A_550 = arith.constant 0 : i32
      %dma_start3A_551 = tpu.memref_slice %dma_start3A_548[%dma_start3A_549, %dma_start3A_550] : memref<100x128xf32, #tpu.memory_space<vmem>> -> memref<50x128xf32, #tpu.memory_space<vmem>>
      %dma_start3A_552 = arith.constant 0 : i32
      %dma_start3A_553 = arith.constant 0 : i32
      %dma_start3A_554 = tpu.memref_slice %arg4[%add3A_543, %dma_start3A_552, %dma_start3A_553] : memref<16384x50x128xf32, #tpu.memory_space<hbm>> -> memref<1x50x128xf32, #tpu.memory_space<hbm>>
      %dma_start3A_555 = tpu.memref_squeeze %dma_start3A_554 : memref<1x50x128xf32, #tpu.memory_space<hbm>> -> memref<50x128xf32, #tpu.memory_space<hbm>>
      %dma_start3A_556 = arith.constant 0 : i32
      %dma_start3A_557 = arith.constant 0 : i32
      %dma_start3A_558 = tpu.memref_slice %arg4[%add3A_543, %dma_start3A_556, %dma_start3A_557] : memref<16384x50x128xf32, #tpu.memory_space<hbm>> -> memref<1x50x128xf32, #tpu.memory_space<hbm>>
      %dma_start3A_559 = tpu.memref_squeeze %dma_start3A_558 : memref<1x50x128xf32, #tpu.memory_space<hbm>> -> memref<50x128xf32, #tpu.memory_space<hbm>>
      %dma_start3A_560 = arith.constant 0 : i32
      %dma_start3A_561 = arith.constant 0 : i32
      %dma_start3A_562 = tpu.memref_slice %arg6[%dma_start3A_544, %dma_start3A_560, %dma_start3A_561] : memref<4x100x128xf32, #tpu.memory_space<vmem>> -> memref<1x100x128xf32, #tpu.memory_space<vmem>>
      %dma_start3A_563 = tpu.memref_squeeze %dma_start3A_562 : memref<1x100x128xf32, #tpu.memory_space<vmem>> -> memref<100x128xf32, #tpu.memory_space<vmem>>
      %dma_start3A_564 = arith.constant 0 : i32
      %dma_start3A_565 = arith.constant 0 : i32
      %dma_start3A_566 = tpu.memref_slice %dma_start3A_563[%dma_start3A_564, %dma_start3A_565] : memref<100x128xf32, #tpu.memory_space<vmem>> -> memref<50x128xf32, #tpu.memory_space<vmem>>
      tpu.enqueue_dma source(%dma_start3A_566 : memref<50x128xf32, #tpu.memory_space<vmem>>) target(%dma_start3A_559 : memref<50x128xf32, #tpu.memory_space<hbm>>) target_semaphore(%arg11 : memref<!tpu.dma_semaphore, #tpu.memory_space<semaphore_mem>>)
      %add3A_567 = arith.constant 1 : i32
      %add3A_568 = arith.addi %add3A_541, %add3A_567 : i32
      %dma_start3A_569 = arith.constant 0 : i32
      %dma_start3A_570 = arith.constant 0 : i32
      %dma_start3A_571 = arith.constant 0 : i32
      %dma_start3A_572 = tpu.memref_slice %arg6[%dma_start3A_569, %dma_start3A_570, %dma_start3A_571] : memref<4x100x128xf32, #tpu.memory_space<vmem>> -> memref<1x100x128xf32, #tpu.memory_space<vmem>>
      %dma_start3A_573 = tpu.memref_squeeze %dma_start3A_572 : memref<1x100x128xf32, #tpu.memory_space<vmem>> -> memref<100x128xf32, #tpu.memory_space<vmem>>
      %dma_start3A_574 = arith.constant 50 : i32
      %dma_start3A_575 = arith.constant 0 : i32
      %dma_start3A_576 = tpu.memref_slice %dma_start3A_573[%dma_start3A_574, %dma_start3A_575] : memref<100x128xf32, #tpu.memory_space<vmem>> -> memref<50x128xf32, #tpu.memory_space<vmem>>
      %dma_start3A_577 = arith.constant 0 : i32
      %dma_start3A_578 = arith.constant 0 : i32
      %dma_start3A_579 = tpu.memref_slice %arg4[%add3A_568, %dma_start3A_577, %dma_start3A_578] : memref<16384x50x128xf32, #tpu.memory_space<hbm>> -> memref<1x50x128xf32, #tpu.memory_space<hbm>>
      %dma_start3A_580 = tpu.memref_squeeze %dma_start3A_579 : memref<1x50x128xf32, #tpu.memory_space<hbm>> -> memref<50x128xf32, #tpu.memory_space<hbm>>
      %dma_start3A_581 = arith.constant 0 : i32
      %dma_start3A_582 = arith.constant 0 : i32
      %dma_start3A_583 = tpu.memref_slice %arg4[%add3A_568, %dma_start3A_581, %dma_start3A_582] : memref<16384x50x128xf32, #tpu.memory_space<hbm>> -> memref<1x50x128xf32, #tpu.memory_space<hbm>>
      %dma_start3A_584 = tpu.memref_squeeze %dma_start3A_583 : memref<1x50x128xf32, #tpu.memory_space<hbm>> -> memref<50x128xf32, #tpu.memory_space<hbm>>
      %dma_start3A_585 = arith.constant 0 : i32
      %dma_start3A_586 = arith.constant 0 : i32
      %dma_start3A_587 = tpu.memref_slice %arg6[%dma_start3A_569, %dma_start3A_585, %dma_start3A_586] : memref<4x100x128xf32, #tpu.memory_space<vmem>> -> memref<1x100x128xf32, #tpu.memory_space<vmem>>
      %dma_start3A_588 = tpu.memref_squeeze %dma_start3A_587 : memref<1x100x128xf32, #tpu.memory_space<vmem>> -> memref<100x128xf32, #tpu.memory_space<vmem>>
      %dma_start3A_589 = arith.constant 50 : i32
      %dma_start3A_590 = arith.constant 0 : i32
      %dma_start3A_591 = tpu.memref_slice %dma_start3A_588[%dma_start3A_589, %dma_start3A_590] : memref<100x128xf32, #tpu.memory_space<vmem>> -> memref<50x128xf32, #tpu.memory_space<vmem>>
      tpu.enqueue_dma source(%dma_start3A_591 : memref<50x128xf32, #tpu.memory_space<vmem>>) target(%dma_start3A_584 : memref<50x128xf32, #tpu.memory_space<hbm>>) target_semaphore(%arg11 : memref<!tpu.dma_semaphore, #tpu.memory_space<semaphore_mem>>)
      %mul3A_592 = arith.constant 4 : i32
      %mul3A_593 = arith.muli %add3A_523, %mul3A_592 : i32
      %add3A_594 = arith.constant 1 : i32
      %add3A_595 = arith.addi %mul3A_593, %add3A_594 : i32
      %dma_wait3A_596 = arith.constant 1 : i32
      %dma_wait3A_597 = arith.constant 0 : i32
      %dma_wait3A_598 = arith.constant 0 : i32
      %dma_wait3A_599 = tpu.memref_slice %arg6[%dma_wait3A_596, %dma_wait3A_597, %dma_wait3A_598] : memref<4x100x128xf32, #tpu.memory_space<vmem>> -> memref<1x100x128xf32, #tpu.memory_space<vmem>>
      %dma_wait3A_600 = tpu.memref_squeeze %dma_wait3A_599 : memref<1x100x128xf32, #tpu.memory_space<vmem>> -> memref<100x128xf32, #tpu.memory_space<vmem>>
      %dma_wait3A_601 = arith.constant 0 : i32
      %dma_wait3A_602 = tpu.memref_slice %arg5[%add3A_595, %dma_wait3A_601] : memref<256x100xi32, #tpu.memory_space<vmem>> -> memref<1x100xi32, #tpu.memory_space<vmem>>
      %dma_wait3A_603 = tpu.memref_squeeze %dma_wait3A_602 : memref<1x100xi32, #tpu.memory_space<vmem>> -> memref<100xi32, #tpu.memory_space<vmem>>
      %dma_wait3A_604 = arith.constant 0 : i32
      %dma_wait3A_605 = arith.constant 0 : i32
      %dma_wait3A_606 = tpu.memref_slice %arg3[%dma_wait3A_604, %dma_wait3A_605] : memref<100000x128xf32, #tpu.memory_space<hbm>> -> memref<100000x128xf32, #tpu.memory_space<hbm>>
      tpu.wait_indirect_dma semaphore(%arg8 : memref<!tpu.dma_semaphore, #tpu.memory_space<semaphore_mem>>) src(%dma_wait3A_606 : memref<100000x128xf32, #tpu.memory_space<hbm>>) dst(%dma_wait3A_600 : memref<100x128xf32, #tpu.memory_space<vmem>>)
      %mul3A_607 = arith.constant 2 : i32
      %mul3A_608 = arith.muli %add3A_595, %mul3A_607 : i32
      %add3A_609 = arith.addi %mul3A_4, %mul3A_608 : i32
      %add3A_610 = arith.constant 0 : i32
      %add3A_611 = arith.addi %add3A_609, %add3A_610 : i32
      %dma_start3A_612 = arith.constant 1 : i32
      %dma_start3A_613 = arith.constant 0 : i32
      %dma_start3A_614 = arith.constant 0 : i32
      %dma_start3A_615 = tpu.memref_slice %arg6[%dma_start3A_612, %dma_start3A_613, %dma_start3A_614] : memref<4x100x128xf32, #tpu.memory_space<vmem>> -> memref<1x100x128xf32, #tpu.memory_space<vmem>>
      %dma_start3A_616 = tpu.memref_squeeze %dma_start3A_615 : memref<1x100x128xf32, #tpu.memory_space<vmem>> -> memref<100x128xf32, #tpu.memory_space<vmem>>
      %dma_start3A_617 = arith.constant 0 : i32
      %dma_start3A_618 = arith.constant 0 : i32
      %dma_start3A_619 = tpu.memref_slice %dma_start3A_616[%dma_start3A_617, %dma_start3A_618] : memref<100x128xf32, #tpu.memory_space<vmem>> -> memref<50x128xf32, #tpu.memory_space<vmem>>
      %dma_start3A_620 = arith.constant 0 : i32
      %dma_start3A_621 = arith.constant 0 : i32
      %dma_start3A_622 = tpu.memref_slice %arg4[%add3A_611, %dma_start3A_620, %dma_start3A_621] : memref<16384x50x128xf32, #tpu.memory_space<hbm>> -> memref<1x50x128xf32, #tpu.memory_space<hbm>>
      %dma_start3A_623 = tpu.memref_squeeze %dma_start3A_622 : memref<1x50x128xf32, #tpu.memory_space<hbm>> -> memref<50x128xf32, #tpu.memory_space<hbm>>
      %dma_start3A_624 = arith.constant 0 : i32
      %dma_start3A_625 = arith.constant 0 : i32
      %dma_start3A_626 = tpu.memref_slice %arg4[%add3A_611, %dma_start3A_624, %dma_start3A_625] : memref<16384x50x128xf32, #tpu.memory_space<hbm>> -> memref<1x50x128xf32, #tpu.memory_space<hbm>>
      %dma_start3A_627 = tpu.memref_squeeze %dma_start3A_626 : memref<1x50x128xf32, #tpu.memory_space<hbm>> -> memref<50x128xf32, #tpu.memory_space<hbm>>
      %dma_start3A_628 = arith.constant 0 : i32
      %dma_start3A_629 = arith.constant 0 : i32
      %dma_start3A_630 = tpu.memref_slice %arg6[%dma_start3A_612, %dma_start3A_628, %dma_start3A_629] : memref<4x100x128xf32, #tpu.memory_space<vmem>> -> memref<1x100x128xf32, #tpu.memory_space<vmem>>
      %dma_start3A_631 = tpu.memref_squeeze %dma_start3A_630 : memref<1x100x128xf32, #tpu.memory_space<vmem>> -> memref<100x128xf32, #tpu.memory_space<vmem>>
      %dma_start3A_632 = arith.constant 0 : i32
      %dma_start3A_633 = arith.constant 0 : i32
      %dma_start3A_634 = tpu.memref_slice %dma_start3A_631[%dma_start3A_632, %dma_start3A_633] : memref<100x128xf32, #tpu.memory_space<vmem>> -> memref<50x128xf32, #tpu.memory_space<vmem>>
      tpu.enqueue_dma source(%dma_start3A_634 : memref<50x128xf32, #tpu.memory_space<vmem>>) target(%dma_start3A_627 : memref<50x128xf32, #tpu.memory_space<hbm>>) target_semaphore(%arg12 : memref<!tpu.dma_semaphore, #tpu.memory_space<semaphore_mem>>)
      %add3A_635 = arith.constant 1 : i32
      %add3A_636 = arith.addi %add3A_609, %add3A_635 : i32
      %dma_start3A_637 = arith.constant 1 : i32
      %dma_start3A_638 = arith.constant 0 : i32
      %dma_start3A_639 = arith.constant 0 : i32
      %dma_start3A_640 = tpu.memref_slice %arg6[%dma_start3A_637, %dma_start3A_638, %dma_start3A_639] : memref<4x100x128xf32, #tpu.memory_space<vmem>> -> memref<1x100x128xf32, #tpu.memory_space<vmem>>
      %dma_start3A_641 = tpu.memref_squeeze %dma_start3A_640 : memref<1x100x128xf32, #tpu.memory_space<vmem>> -> memref<100x128xf32, #tpu.memory_space<vmem>>
      %dma_start3A_642 = arith.constant 50 : i32
      %dma_start3A_643 = arith.constant 0 : i32
      %dma_start3A_644 = tpu.memref_slice %dma_start3A_641[%dma_start3A_642, %dma_start3A_643] : memref<100x128xf32, #tpu.memory_space<vmem>> -> memref<50x128xf32, #tpu.memory_space<vmem>>
      %dma_start3A_645 = arith.constant 0 : i32
      %dma_start3A_646 = arith.constant 0 : i32
      %dma_start3A_647 = tpu.memref_slice %arg4[%add3A_636, %dma_start3A_645, %dma_start3A_646] : memref<16384x50x128xf32, #tpu.memory_space<hbm>> -> memref<1x50x128xf32, #tpu.memory_space<hbm>>
      %dma_start3A_648 = tpu.memref_squeeze %dma_start3A_647 : memref<1x50x128xf32, #tpu.memory_space<hbm>> -> memref<50x128xf32, #tpu.memory_space<hbm>>
      %dma_start3A_649 = arith.constant 0 : i32
      %dma_start3A_650 = arith.constant 0 : i32
      %dma_start3A_651 = tpu.memref_slice %arg4[%add3A_636, %dma_start3A_649, %dma_start3A_650] : memref<16384x50x128xf32, #tpu.memory_space<hbm>> -> memref<1x50x128xf32, #tpu.memory_space<hbm>>
      %dma_start3A_652 = tpu.memref_squeeze %dma_start3A_651 : memref<1x50x128xf32, #tpu.memory_space<hbm>> -> memref<50x128xf32, #tpu.memory_space<hbm>>
      %dma_start3A_653 = arith.constant 0 : i32
      %dma_start3A_654 = arith.constant 0 : i32
      %dma_start3A_655 = tpu.memref_slice %arg6[%dma_start3A_637, %dma_start3A_653, %dma_start3A_654] : memref<4x100x128xf32, #tpu.memory_space<vmem>> -> memref<1x100x128xf32, #tpu.memory_space<vmem>>
      %dma_start3A_656 = tpu.memref_squeeze %dma_start3A_655 : memref<1x100x128xf32, #tpu.memory_space<vmem>> -> memref<100x128xf32, #tpu.memory_space<vmem>>
      %dma_start3A_657 = arith.constant 50 : i32
      %dma_start3A_658 = arith.constant 0 : i32
      %dma_start3A_659 = tpu.memref_slice %dma_start3A_656[%dma_start3A_657, %dma_start3A_658] : memref<100x128xf32, #tpu.memory_space<vmem>> -> memref<50x128xf32, #tpu.memory_space<vmem>>
      tpu.enqueue_dma source(%dma_start3A_659 : memref<50x128xf32, #tpu.memory_space<vmem>>) target(%dma_start3A_652 : memref<50x128xf32, #tpu.memory_space<hbm>>) target_semaphore(%arg12 : memref<!tpu.dma_semaphore, #tpu.memory_space<semaphore_mem>>)
      %mul3A_660 = arith.constant 4 : i32
      %mul3A_661 = arith.muli %add3A_523, %mul3A_660 : i32
      %add3A_662 = arith.constant 2 : i32
      %add3A_663 = arith.addi %mul3A_661, %add3A_662 : i32
      %dma_wait3A_664 = arith.constant 2 : i32
      %dma_wait3A_665 = arith.constant 0 : i32
      %dma_wait3A_666 = arith.constant 0 : i32
      %dma_wait3A_667 = tpu.memref_slice %arg6[%dma_wait3A_664, %dma_wait3A_665, %dma_wait3A_666] : memref<4x100x128xf32, #tpu.memory_space<vmem>> -> memref<1x100x128xf32, #tpu.memory_space<vmem>>
      %dma_wait3A_668 = tpu.memref_squeeze %dma_wait3A_667 : memref<1x100x128xf32, #tpu.memory_space<vmem>> -> memref<100x128xf32, #tpu.memory_space<vmem>>
      %dma_wait3A_669 = arith.constant 0 : i32
      %dma_wait3A_670 = tpu.memref_slice %arg5[%add3A_663, %dma_wait3A_669] : memref<256x100xi32, #tpu.memory_space<vmem>> -> memref<1x100xi32, #tpu.memory_space<vmem>>
      %dma_wait3A_671 = tpu.memref_squeeze %dma_wait3A_670 : memref<1x100xi32, #tpu.memory_space<vmem>> -> memref<100xi32, #tpu.memory_space<vmem>>
      %dma_wait3A_672 = arith.constant 0 : i32
      %dma_wait3A_673 = arith.constant 0 : i32
      %dma_wait3A_674 = tpu.memref_slice %arg3[%dma_wait3A_672, %dma_wait3A_673] : memref<100000x128xf32, #tpu.memory_space<hbm>> -> memref<100000x128xf32, #tpu.memory_space<hbm>>
      tpu.wait_indirect_dma semaphore(%arg9 : memref<!tpu.dma_semaphore, #tpu.memory_space<semaphore_mem>>) src(%dma_wait3A_674 : memref<100000x128xf32, #tpu.memory_space<hbm>>) dst(%dma_wait3A_668 : memref<100x128xf32, #tpu.memory_space<vmem>>)
      %mul3A_675 = arith.constant 2 : i32
      %mul3A_676 = arith.muli %add3A_663, %mul3A_675 : i32
      %add3A_677 = arith.addi %mul3A_4, %mul3A_676 : i32
      %add3A_678 = arith.constant 0 : i32
      %add3A_679 = arith.addi %add3A_677, %add3A_678 : i32
      %dma_start3A_680 = arith.constant 2 : i32
      %dma_start3A_681 = arith.constant 0 : i32
      %dma_start3A_682 = arith.constant 0 : i32
      %dma_start3A_683 = tpu.memref_slice %arg6[%dma_start3A_680, %dma_start3A_681, %dma_start3A_682] : memref<4x100x128xf32, #tpu.memory_space<vmem>> -> memref<1x100x128xf32, #tpu.memory_space<vmem>>
      %dma_start3A_684 = tpu.memref_squeeze %dma_start3A_683 : memref<1x100x128xf32, #tpu.memory_space<vmem>> -> memref<100x128xf32, #tpu.memory_space<vmem>>
      %dma_start3A_685 = arith.constant 0 : i32
      %dma_start3A_686 = arith.constant 0 : i32
      %dma_start3A_687 = tpu.memref_slice %dma_start3A_684[%dma_start3A_685, %dma_start3A_686] : memref<100x128xf32, #tpu.memory_space<vmem>> -> memref<50x128xf32, #tpu.memory_space<vmem>>
      %dma_start3A_688 = arith.constant 0 : i32
      %dma_start3A_689 = arith.constant 0 : i32
      %dma_start3A_690 = tpu.memref_slice %arg4[%add3A_679, %dma_start3A_688, %dma_start3A_689] : memref<16384x50x128xf32, #tpu.memory_space<hbm>> -> memref<1x50x128xf32, #tpu.memory_space<hbm>>
      %dma_start3A_691 = tpu.memref_squeeze %dma_start3A_690 : memref<1x50x128xf32, #tpu.memory_space<hbm>> -> memref<50x128xf32, #tpu.memory_space<hbm>>
      %dma_start3A_692 = arith.constant 0 : i32
      %dma_start3A_693 = arith.constant 0 : i32
      %dma_start3A_694 = tpu.memref_slice %arg4[%add3A_679, %dma_start3A_692, %dma_start3A_693] : memref<16384x50x128xf32, #tpu.memory_space<hbm>> -> memref<1x50x128xf32, #tpu.memory_space<hbm>>
      %dma_start3A_695 = tpu.memref_squeeze %dma_start3A_694 : memref<1x50x128xf32, #tpu.memory_space<hbm>> -> memref<50x128xf32, #tpu.memory_space<hbm>>
      %dma_start3A_696 = arith.constant 0 : i32
      %dma_start3A_697 = arith.constant 0 : i32
      %dma_start3A_698 = tpu.memref_slice %arg6[%dma_start3A_680, %dma_start3A_696, %dma_start3A_697] : memref<4x100x128xf32, #tpu.memory_space<vmem>> -> memref<1x100x128xf32, #tpu.memory_space<vmem>>
      %dma_start3A_699 = tpu.memref_squeeze %dma_start3A_698 : memref<1x100x128xf32, #tpu.memory_space<vmem>> -> memref<100x128xf32, #tpu.memory_space<vmem>>
      %dma_start3A_700 = arith.constant 0 : i32
      %dma_start3A_701 = arith.constant 0 : i32
      %dma_start3A_702 = tpu.memref_slice %dma_start3A_699[%dma_start3A_700, %dma_start3A_701] : memref<100x128xf32, #tpu.memory_space<vmem>> -> memref<50x128xf32, #tpu.memory_space<vmem>>
      tpu.enqueue_dma source(%dma_start3A_702 : memref<50x128xf32, #tpu.memory_space<vmem>>) target(%dma_start3A_695 : memref<50x128xf32, #tpu.memory_space<hbm>>) target_semaphore(%arg13 : memref<!tpu.dma_semaphore, #tpu.memory_space<semaphore_mem>>)
      %add3A_703 = arith.constant 1 : i32
      %add3A_704 = arith.addi %add3A_677, %add3A_703 : i32
      %dma_start3A_705 = arith.constant 2 : i32
      %dma_start3A_706 = arith.constant 0 : i32
      %dma_start3A_707 = arith.constant 0 : i32
      %dma_start3A_708 = tpu.memref_slice %arg6[%dma_start3A_705, %dma_start3A_706, %dma_start3A_707] : memref<4x100x128xf32, #tpu.memory_space<vmem>> -> memref<1x100x128xf32, #tpu.memory_space<vmem>>
      %dma_start3A_709 = tpu.memref_squeeze %dma_start3A_708 : memref<1x100x128xf32, #tpu.memory_space<vmem>> -> memref<100x128xf32, #tpu.memory_space<vmem>>
      %dma_start3A_710 = arith.constant 50 : i32
      %dma_start3A_711 = arith.constant 0 : i32
      %dma_start3A_712 = tpu.memref_slice %dma_start3A_709[%dma_start3A_710, %dma_start3A_711] : memref<100x128xf32, #tpu.memory_space<vmem>> -> memref<50x128xf32, #tpu.memory_space<vmem>>
      %dma_start3A_713 = arith.constant 0 : i32
      %dma_start3A_714 = arith.constant 0 : i32
      %dma_start3A_715 = tpu.memref_slice %arg4[%add3A_704, %dma_start3A_713, %dma_start3A_714] : memref<16384x50x128xf32, #tpu.memory_space<hbm>> -> memref<1x50x128xf32, #tpu.memory_space<hbm>>
      %dma_start3A_716 = tpu.memref_squeeze %dma_start3A_715 : memref<1x50x128xf32, #tpu.memory_space<hbm>> -> memref<50x128xf32, #tpu.memory_space<hbm>>
      %dma_start3A_717 = arith.constant 0 : i32
      %dma_start3A_718 = arith.constant 0 : i32
      %dma_start3A_719 = tpu.memref_slice %arg4[%add3A_704, %dma_start3A_717, %dma_start3A_718] : memref<16384x50x128xf32, #tpu.memory_space<hbm>> -> memref<1x50x128xf32, #tpu.memory_space<hbm>>
      %dma_start3A_720 = tpu.memref_squeeze %dma_start3A_719 : memref<1x50x128xf32, #tpu.memory_space<hbm>> -> memref<50x128xf32, #tpu.memory_space<hbm>>
      %dma_start3A_721 = arith.constant 0 : i32
      %dma_start3A_722 = arith.constant 0 : i32
      %dma_start3A_723 = tpu.memref_slice %arg6[%dma_start3A_705, %dma_start3A_721, %dma_start3A_722] : memref<4x100x128xf32, #tpu.memory_space<vmem>> -> memref<1x100x128xf32, #tpu.memory_space<vmem>>
      %dma_start3A_724 = tpu.memref_squeeze %dma_start3A_723 : memref<1x100x128xf32, #tpu.memory_space<vmem>> -> memref<100x128xf32, #tpu.memory_space<vmem>>
      %dma_start3A_725 = arith.constant 50 : i32
      %dma_start3A_726 = arith.constant 0 : i32
      %dma_start3A_727 = tpu.memref_slice %dma_start3A_724[%dma_start3A_725, %dma_start3A_726] : memref<100x128xf32, #tpu.memory_space<vmem>> -> memref<50x128xf32, #tpu.memory_space<vmem>>
      tpu.enqueue_dma source(%dma_start3A_727 : memref<50x128xf32, #tpu.memory_space<vmem>>) target(%dma_start3A_720 : memref<50x128xf32, #tpu.memory_space<hbm>>) target_semaphore(%arg13 : memref<!tpu.dma_semaphore, #tpu.memory_space<semaphore_mem>>)
      %mul3A_728 = arith.constant 4 : i32
      %mul3A_729 = arith.muli %add3A_523, %mul3A_728 : i32
      %add3A_730 = arith.constant 3 : i32
      %add3A_731 = arith.addi %mul3A_729, %add3A_730 : i32
      %dma_wait3A_732 = arith.constant 3 : i32
      %dma_wait3A_733 = arith.constant 0 : i32
      %dma_wait3A_734 = arith.constant 0 : i32
      %dma_wait3A_735 = tpu.memref_slice %arg6[%dma_wait3A_732, %dma_wait3A_733, %dma_wait3A_734] : memref<4x100x128xf32, #tpu.memory_space<vmem>> -> memref<1x100x128xf32, #tpu.memory_space<vmem>>
      %dma_wait3A_736 = tpu.memref_squeeze %dma_wait3A_735 : memref<1x100x128xf32, #tpu.memory_space<vmem>> -> memref<100x128xf32, #tpu.memory_space<vmem>>
      %dma_wait3A_737 = arith.constant 0 : i32
      %dma_wait3A_738 = tpu.memref_slice %arg5[%add3A_731, %dma_wait3A_737] : memref<256x100xi32, #tpu.memory_space<vmem>> -> memref<1x100xi32, #tpu.memory_space<vmem>>
      %dma_wait3A_739 = tpu.memref_squeeze %dma_wait3A_738 : memref<1x100xi32, #tpu.memory_space<vmem>> -> memref<100xi32, #tpu.memory_space<vmem>>
      %dma_wait3A_740 = arith.constant 0 : i32
      %dma_wait3A_741 = arith.constant 0 : i32
      %dma_wait3A_742 = tpu.memref_slice %arg3[%dma_wait3A_740, %dma_wait3A_741] : memref<100000x128xf32, #tpu.memory_space<hbm>> -> memref<100000x128xf32, #tpu.memory_space<hbm>>
      tpu.wait_indirect_dma semaphore(%arg10 : memref<!tpu.dma_semaphore, #tpu.memory_space<semaphore_mem>>) src(%dma_wait3A_742 : memref<100000x128xf32, #tpu.memory_space<hbm>>) dst(%dma_wait3A_736 : memref<100x128xf32, #tpu.memory_space<vmem>>)
      %mul3A_743 = arith.constant 2 : i32
      %mul3A_744 = arith.muli %add3A_731, %mul3A_743 : i32
      %add3A_745 = arith.addi %mul3A_4, %mul3A_744 : i32
      %add3A_746 = arith.constant 0 : i32
      %add3A_747 = arith.addi %add3A_745, %add3A_746 : i32
      %dma_start3A_748 = arith.constant 3 : i32
      %dma_start3A_749 = arith.constant 0 : i32
      %dma_start3A_750 = arith.constant 0 : i32
      %dma_start3A_751 = tpu.memref_slice %arg6[%dma_start3A_748, %dma_start3A_749, %dma_start3A_750] : memref<4x100x128xf32, #tpu.memory_space<vmem>> -> memref<1x100x128xf32, #tpu.memory_space<vmem>>
      %dma_start3A_752 = tpu.memref_squeeze %dma_start3A_751 : memref<1x100x128xf32, #tpu.memory_space<vmem>> -> memref<100x128xf32, #tpu.memory_space<vmem>>
      %dma_start3A_753 = arith.constant 0 : i32
      %dma_start3A_754 = arith.constant 0 : i32
      %dma_start3A_755 = tpu.memref_slice %dma_start3A_752[%dma_start3A_753, %dma_start3A_754] : memref<100x128xf32, #tpu.memory_space<vmem>> -> memref<50x128xf32, #tpu.memory_space<vmem>>
      %dma_start3A_756 = arith.constant 0 : i32
      %dma_start3A_757 = arith.constant 0 : i32
      %dma_start3A_758 = tpu.memref_slice %arg4[%add3A_747, %dma_start3A_756, %dma_start3A_757] : memref<16384x50x128xf32, #tpu.memory_space<hbm>> -> memref<1x50x128xf32, #tpu.memory_space<hbm>>
      %dma_start3A_759 = tpu.memref_squeeze %dma_start3A_758 : memref<1x50x128xf32, #tpu.memory_space<hbm>> -> memref<50x128xf32, #tpu.memory_space<hbm>>
      %dma_start3A_760 = arith.constant 0 : i32
      %dma_start3A_761 = arith.constant 0 : i32
      %dma_start3A_762 = tpu.memref_slice %arg4[%add3A_747, %dma_start3A_760, %dma_start3A_761] : memref<16384x50x128xf32, #tpu.memory_space<hbm>> -> memref<1x50x128xf32, #tpu.memory_space<hbm>>
      %dma_start3A_763 = tpu.memref_squeeze %dma_start3A_762 : memref<1x50x128xf32, #tpu.memory_space<hbm>> -> memref<50x128xf32, #tpu.memory_space<hbm>>
      %dma_start3A_764 = arith.constant 0 : i32
      %dma_start3A_765 = arith.constant 0 : i32
      %dma_start3A_766 = tpu.memref_slice %arg6[%dma_start3A_748, %dma_start3A_764, %dma_start3A_765] : memref<4x100x128xf32, #tpu.memory_space<vmem>> -> memref<1x100x128xf32, #tpu.memory_space<vmem>>
      %dma_start3A_767 = tpu.memref_squeeze %dma_start3A_766 : memref<1x100x128xf32, #tpu.memory_space<vmem>> -> memref<100x128xf32, #tpu.memory_space<vmem>>
      %dma_start3A_768 = arith.constant 0 : i32
      %dma_start3A_769 = arith.constant 0 : i32
      %dma_start3A_770 = tpu.memref_slice %dma_start3A_767[%dma_start3A_768, %dma_start3A_769] : memref<100x128xf32, #tpu.memory_space<vmem>> -> memref<50x128xf32, #tpu.memory_space<vmem>>
      tpu.enqueue_dma source(%dma_start3A_770 : memref<50x128xf32, #tpu.memory_space<vmem>>) target(%dma_start3A_763 : memref<50x128xf32, #tpu.memory_space<hbm>>) target_semaphore(%arg14 : memref<!tpu.dma_semaphore, #tpu.memory_space<semaphore_mem>>)
      %add3A_771 = arith.constant 1 : i32
      %add3A_772 = arith.addi %add3A_745, %add3A_771 : i32
      %dma_start3A_773 = arith.constant 3 : i32
      %dma_start3A_774 = arith.constant 0 : i32
      %dma_start3A_775 = arith.constant 0 : i32
      %dma_start3A_776 = tpu.memref_slice %arg6[%dma_start3A_773, %dma_start3A_774, %dma_start3A_775] : memref<4x100x128xf32, #tpu.memory_space<vmem>> -> memref<1x100x128xf32, #tpu.memory_space<vmem>>
      %dma_start3A_777 = tpu.memref_squeeze %dma_start3A_776 : memref<1x100x128xf32, #tpu.memory_space<vmem>> -> memref<100x128xf32, #tpu.memory_space<vmem>>
      %dma_start3A_778 = arith.constant 50 : i32
      %dma_start3A_779 = arith.constant 0 : i32
      %dma_start3A_780 = tpu.memref_slice %dma_start3A_777[%dma_start3A_778, %dma_start3A_779] : memref<100x128xf32, #tpu.memory_space<vmem>> -> memref<50x128xf32, #tpu.memory_space<vmem>>
      %dma_start3A_781 = arith.constant 0 : i32
      %dma_start3A_782 = arith.constant 0 : i32
      %dma_start3A_783 = tpu.memref_slice %arg4[%add3A_772, %dma_start3A_781, %dma_start3A_782] : memref<16384x50x128xf32, #tpu.memory_space<hbm>> -> memref<1x50x128xf32, #tpu.memory_space<hbm>>
      %dma_start3A_784 = tpu.memref_squeeze %dma_start3A_783 : memref<1x50x128xf32, #tpu.memory_space<hbm>> -> memref<50x128xf32, #tpu.memory_space<hbm>>
      %dma_start3A_785 = arith.constant 0 : i32
      %dma_start3A_786 = arith.constant 0 : i32
      %dma_start3A_787 = tpu.memref_slice %arg4[%add3A_772, %dma_start3A_785, %dma_start3A_786] : memref<16384x50x128xf32, #tpu.memory_space<hbm>> -> memref<1x50x128xf32, #tpu.memory_space<hbm>>
      %dma_start3A_788 = tpu.memref_squeeze %dma_start3A_787 : memref<1x50x128xf32, #tpu.memory_space<hbm>> -> memref<50x128xf32, #tpu.memory_space<hbm>>
      %dma_start3A_789 = arith.constant 0 : i32
      %dma_start3A_790 = arith.constant 0 : i32
      %dma_start3A_791 = tpu.memref_slice %arg6[%dma_start3A_773, %dma_start3A_789, %dma_start3A_790] : memref<4x100x128xf32, #tpu.memory_space<vmem>> -> memref<1x100x128xf32, #tpu.memory_space<vmem>>
      %dma_start3A_792 = tpu.memref_squeeze %dma_start3A_791 : memref<1x100x128xf32, #tpu.memory_space<vmem>> -> memref<100x128xf32, #tpu.memory_space<vmem>>
      %dma_start3A_793 = arith.constant 50 : i32
      %dma_start3A_794 = arith.constant 0 : i32
      %dma_start3A_795 = tpu.memref_slice %dma_start3A_792[%dma_start3A_793, %dma_start3A_794] : memref<100x128xf32, #tpu.memory_space<vmem>> -> memref<50x128xf32, #tpu.memory_space<vmem>>
      tpu.enqueue_dma source(%dma_start3A_795 : memref<50x128xf32, #tpu.memory_space<vmem>>) target(%dma_start3A_788 : memref<50x128xf32, #tpu.memory_space<hbm>>) target_semaphore(%arg14 : memref<!tpu.dma_semaphore, #tpu.memory_space<semaphore_mem>>)
      %mul3A_796 = arith.constant 4 : i32
      %mul3A_797 = arith.muli %add3A_523, %mul3A_796 : i32
      %add3A_798 = arith.constant 0 : i32
      %add3A_799 = arith.addi %mul3A_797, %add3A_798 : i32
      %mul3A_800 = arith.constant 2 : i32
      %mul3A_801 = arith.muli %add3A_799, %mul3A_800 : i32
      %add3A_802 = arith.addi %mul3A_4, %mul3A_801 : i32
      %add3A_803 = arith.constant 0 : i32
      %add3A_804 = arith.addi %add3A_802, %add3A_803 : i32
      %dma_wait3A_805 = arith.constant 0 : i32
      %dma_wait3A_806 = arith.constant 0 : i32
      %dma_wait3A_807 = arith.constant 0 : i32
      %dma_wait3A_808 = tpu.memref_slice %arg6[%dma_wait3A_805, %dma_wait3A_806, %dma_wait3A_807] : memref<4x100x128xf32, #tpu.memory_space<vmem>> -> memref<1x100x128xf32, #tpu.memory_space<vmem>>
      %dma_wait3A_809 = tpu.memref_squeeze %dma_wait3A_808 : memref<1x100x128xf32, #tpu.memory_space<vmem>> -> memref<100x128xf32, #tpu.memory_space<vmem>>
      %dma_wait3A_810 = arith.constant 0 : i32
      %dma_wait3A_811 = arith.constant 0 : i32
      %dma_wait3A_812 = tpu.memref_slice %dma_wait3A_809[%dma_wait3A_810, %dma_wait3A_811] : memref<100x128xf32, #tpu.memory_space<vmem>> -> memref<50x128xf32, #tpu.memory_space<vmem>>
      %dma_wait3A_813 = arith.constant 0 : i32
      %dma_wait3A_814 = arith.constant 0 : i32
      %dma_wait3A_815 = tpu.memref_slice %arg4[%add3A_804, %dma_wait3A_813, %dma_wait3A_814] : memref<16384x50x128xf32, #tpu.memory_space<hbm>> -> memref<1x50x128xf32, #tpu.memory_space<hbm>>
      %dma_wait3A_816 = tpu.memref_squeeze %dma_wait3A_815 : memref<1x50x128xf32, #tpu.memory_space<hbm>> -> memref<50x128xf32, #tpu.memory_space<hbm>>
      %dma_wait3A_817 = arith.constant 0 : i32
      %dma_wait3A_818 = arith.constant 0 : i32
      %dma_wait3A_819 = tpu.memref_slice %arg4[%add3A_804, %dma_wait3A_817, %dma_wait3A_818] : memref<16384x50x128xf32, #tpu.memory_space<hbm>> -> memref<1x50x128xf32, #tpu.memory_space<hbm>>
      %dma_wait3A_820 = tpu.memref_squeeze %dma_wait3A_819 : memref<1x50x128xf32, #tpu.memory_space<hbm>> -> memref<50x128xf32, #tpu.memory_space<hbm>>
      %dma_wait3A_821 = arith.constant 0 : i32
      %dma_wait3A_822 = arith.constant 0 : i32
      %dma_wait3A_823 = tpu.memref_slice %arg6[%dma_wait3A_805, %dma_wait3A_821, %dma_wait3A_822] : memref<4x100x128xf32, #tpu.memory_space<vmem>> -> memref<1x100x128xf32, #tpu.memory_space<vmem>>
      %dma_wait3A_824 = tpu.memref_squeeze %dma_wait3A_823 : memref<1x100x128xf32, #tpu.memory_space<vmem>> -> memref<100x128xf32, #tpu.memory_space<vmem>>
      %dma_wait3A_825 = arith.constant 0 : i32
      %dma_wait3A_826 = arith.constant 0 : i32
      %dma_wait3A_827 = tpu.memref_slice %dma_wait3A_824[%dma_wait3A_825, %dma_wait3A_826] : memref<100x128xf32, #tpu.memory_space<vmem>> -> memref<50x128xf32, #tpu.memory_space<vmem>>
      tpu.wait_dma2 semaphore(%arg11 : memref<!tpu.dma_semaphore, #tpu.memory_space<semaphore_mem>>) src(%dma_wait3A_827 : memref<50x128xf32, #tpu.memory_space<vmem>>) dst(%dma_wait3A_820 : memref<50x128xf32, #tpu.memory_space<hbm>>)
      %add3A_828 = arith.constant 1 : i32
      %add3A_829 = arith.addi %add3A_802, %add3A_828 : i32
      %dma_wait3A_830 = arith.constant 0 : i32
      %dma_wait3A_831 = arith.constant 0 : i32
      %dma_wait3A_832 = arith.constant 0 : i32
      %dma_wait3A_833 = tpu.memref_slice %arg6[%dma_wait3A_830, %dma_wait3A_831, %dma_wait3A_832] : memref<4x100x128xf32, #tpu.memory_space<vmem>> -> memref<1x100x128xf32, #tpu.memory_space<vmem>>
      %dma_wait3A_834 = tpu.memref_squeeze %dma_wait3A_833 : memref<1x100x128xf32, #tpu.memory_space<vmem>> -> memref<100x128xf32, #tpu.memory_space<vmem>>
      %dma_wait3A_835 = arith.constant 50 : i32
      %dma_wait3A_836 = arith.constant 0 : i32
      %dma_wait3A_837 = tpu.memref_slice %dma_wait3A_834[%dma_wait3A_835, %dma_wait3A_836] : memref<100x128xf32, #tpu.memory_space<vmem>> -> memref<50x128xf32, #tpu.memory_space<vmem>>
      %dma_wait3A_838 = arith.constant 0 : i32
      %dma_wait3A_839 = arith.constant 0 : i32
      %dma_wait3A_840 = tpu.memref_slice %arg4[%add3A_829, %dma_wait3A_838, %dma_wait3A_839] : memref<16384x50x128xf32, #tpu.memory_space<hbm>> -> memref<1x50x128xf32, #tpu.memory_space<hbm>>
      %dma_wait3A_841 = tpu.memref_squeeze %dma_wait3A_840 : memref<1x50x128xf32, #tpu.memory_space<hbm>> -> memref<50x128xf32, #tpu.memory_space<hbm>>
      %dma_wait3A_842 = arith.constant 0 : i32
      %dma_wait3A_843 = arith.constant 0 : i32
      %dma_wait3A_844 = tpu.memref_slice %arg4[%add3A_829, %dma_wait3A_842, %dma_wait3A_843] : memref<16384x50x128xf32, #tpu.memory_space<hbm>> -> memref<1x50x128xf32, #tpu.memory_space<hbm>>
      %dma_wait3A_845 = tpu.memref_squeeze %dma_wait3A_844 : memref<1x50x128xf32, #tpu.memory_space<hbm>> -> memref<50x128xf32, #tpu.memory_space<hbm>>
      %dma_wait3A_846 = arith.constant 0 : i32
      %dma_wait3A_847 = arith.constant 0 : i32
      %dma_wait3A_848 = tpu.memref_slice %arg6[%dma_wait3A_830, %dma_wait3A_846, %dma_wait3A_847] : memref<4x100x128xf32, #tpu.memory_space<vmem>> -> memref<1x100x128xf32, #tpu.memory_space<vmem>>
      %dma_wait3A_849 = tpu.memref_squeeze %dma_wait3A_848 : memref<1x100x128xf32, #tpu.memory_space<vmem>> -> memref<100x128xf32, #tpu.memory_space<vmem>>
      %dma_wait3A_850 = arith.constant 50 : i32
      %dma_wait3A_851 = arith.constant 0 : i32
      %dma_wait3A_852 = tpu.memref_slice %dma_wait3A_849[%dma_wait3A_850, %dma_wait3A_851] : memref<100x128xf32, #tpu.memory_space<vmem>> -> memref<50x128xf32, #tpu.memory_space<vmem>>
      tpu.wait_dma2 semaphore(%arg11 : memref<!tpu.dma_semaphore, #tpu.memory_space<semaphore_mem>>) src(%dma_wait3A_852 : memref<50x128xf32, #tpu.memory_space<vmem>>) dst(%dma_wait3A_845 : memref<50x128xf32, #tpu.memory_space<hbm>>)
      %add3A_853 = arith.constant 4 : i32
      %add3A_854 = arith.addi %add3A_799, %add3A_853 : i32
      %dma_start3A_855 = arith.constant 0 : i32
      %dma_start3A_856 = arith.constant 0 : i32
      %dma_start3A_857 = arith.constant 0 : i32
      %dma_start3A_858 = tpu.memref_slice %arg6[%dma_start3A_855, %dma_start3A_856, %dma_start3A_857] : memref<4x100x128xf32, #tpu.memory_space<vmem>> -> memref<1x100x128xf32, #tpu.memory_space<vmem>>
      %dma_start3A_859 = tpu.memref_squeeze %dma_start3A_858 : memref<1x100x128xf32, #tpu.memory_space<vmem>> -> memref<100x128xf32, #tpu.memory_space<vmem>>
      %dma_start3A_860 = arith.constant 0 : i32
      %dma_start3A_861 = tpu.memref_slice %arg5[%add3A_854, %dma_start3A_860] : memref<256x100xi32, #tpu.memory_space<vmem>> -> memref<1x100xi32, #tpu.memory_space<vmem>>
      %dma_start3A_862 = tpu.memref_squeeze %dma_start3A_861 : memref<1x100xi32, #tpu.memory_space<vmem>> -> memref<100xi32, #tpu.memory_space<vmem>>
      %dma_start3A_863 = arith.constant 0 : i32
      %dma_start3A_864 = arith.constant 0 : i32
      %dma_start3A_865 = tpu.memref_slice %arg3[%dma_start3A_863, %dma_start3A_864] : memref<100000x128xf32, #tpu.memory_space<hbm>> -> memref<100000x128xf32, #tpu.memory_space<hbm>>
      tpu.enqueue_indirect_dma source(%dma_start3A_865 : memref<100000x128xf32, #tpu.memory_space<hbm>>) target(%dma_start3A_859 : memref<100x128xf32, #tpu.memory_space<vmem>>) offsets(%dma_start3A_862 : memref<100xi32, #tpu.memory_space<vmem>>) semaphore(%arg7 : memref<!tpu.dma_semaphore, #tpu.memory_space<semaphore_mem>>)
      %mul3A_866 = arith.constant 4 : i32
      %mul3A_867 = arith.muli %add3A_523, %mul3A_866 : i32
      %add3A_868 = arith.constant 1 : i32
      %add3A_869 = arith.addi %mul3A_867, %add3A_868 : i32
      %mul3A_870 = arith.constant 2 : i32
      %mul3A_871 = arith.muli %add3A_869, %mul3A_870 : i32
      %add3A_872 = arith.addi %mul3A_4, %mul3A_871 : i32
      %add3A_873 = arith.constant 0 : i32
      %add3A_874 = arith.addi %add3A_872, %add3A_873 : i32
      %dma_wait3A_875 = arith.constant 1 : i32
      %dma_wait3A_876 = arith.constant 0 : i32
      %dma_wait3A_877 = arith.constant 0 : i32
      %dma_wait3A_878 = tpu.memref_slice %arg6[%dma_wait3A_875, %dma_wait3A_876, %dma_wait3A_877] : memref<4x100x128xf32, #tpu.memory_space<vmem>> -> memref<1x100x128xf32, #tpu.memory_space<vmem>>
      %dma_wait3A_879 = tpu.memref_squeeze %dma_wait3A_878 : memref<1x100x128xf32, #tpu.memory_space<vmem>> -> memref<100x128xf32, #tpu.memory_space<vmem>>
      %dma_wait3A_880 = arith.constant 0 : i32
      %dma_wait3A_881 = arith.constant 0 : i32
      %dma_wait3A_882 = tpu.memref_slice %dma_wait3A_879[%dma_wait3A_880, %dma_wait3A_881] : memref<100x128xf32, #tpu.memory_space<vmem>> -> memref<50x128xf32, #tpu.memory_space<vmem>>
      %dma_wait3A_883 = arith.constant 0 : i32
      %dma_wait3A_884 = arith.constant 0 : i32
      %dma_wait3A_885 = tpu.memref_slice %arg4[%add3A_874, %dma_wait3A_883, %dma_wait3A_884] : memref<16384x50x128xf32, #tpu.memory_space<hbm>> -> memref<1x50x128xf32, #tpu.memory_space<hbm>>
      %dma_wait3A_886 = tpu.memref_squeeze %dma_wait3A_885 : memref<1x50x128xf32, #tpu.memory_space<hbm>> -> memref<50x128xf32, #tpu.memory_space<hbm>>
      %dma_wait3A_887 = arith.constant 0 : i32
      %dma_wait3A_888 = arith.constant 0 : i32
      %dma_wait3A_889 = tpu.memref_slice %arg4[%add3A_874, %dma_wait3A_887, %dma_wait3A_888] : memref<16384x50x128xf32, #tpu.memory_space<hbm>> -> memref<1x50x128xf32, #tpu.memory_space<hbm>>
      %dma_wait3A_890 = tpu.memref_squeeze %dma_wait3A_889 : memref<1x50x128xf32, #tpu.memory_space<hbm>> -> memref<50x128xf32, #tpu.memory_space<hbm>>
      %dma_wait3A_891 = arith.constant 0 : i32
      %dma_wait3A_892 = arith.constant 0 : i32
      %dma_wait3A_893 = tpu.memref_slice %arg6[%dma_wait3A_875, %dma_wait3A_891, %dma_wait3A_892] : memref<4x100x128xf32, #tpu.memory_space<vmem>> -> memref<1x100x128xf32, #tpu.memory_space<vmem>>
      %dma_wait3A_894 = tpu.memref_squeeze %dma_wait3A_893 : memref<1x100x128xf32, #tpu.memory_space<vmem>> -> memref<100x128xf32, #tpu.memory_space<vmem>>
      %dma_wait3A_895 = arith.constant 0 : i32
      %dma_wait3A_896 = arith.constant 0 : i32
      %dma_wait3A_897 = tpu.memref_slice %dma_wait3A_894[%dma_wait3A_895, %dma_wait3A_896] : memref<100x128xf32, #tpu.memory_space<vmem>> -> memref<50x128xf32, #tpu.memory_space<vmem>>
      tpu.wait_dma2 semaphore(%arg12 : memref<!tpu.dma_semaphore, #tpu.memory_space<semaphore_mem>>) src(%dma_wait3A_897 : memref<50x128xf32, #tpu.memory_space<vmem>>) dst(%dma_wait3A_890 : memref<50x128xf32, #tpu.memory_space<hbm>>)
      %add3A_898 = arith.constant 1 : i32
      %add3A_899 = arith.addi %add3A_872, %add3A_898 : i32
      %dma_wait3A_900 = arith.constant 1 : i32
      %dma_wait3A_901 = arith.constant 0 : i32
      %dma_wait3A_902 = arith.constant 0 : i32
      %dma_wait3A_903 = tpu.memref_slice %arg6[%dma_wait3A_900, %dma_wait3A_901, %dma_wait3A_902] : memref<4x100x128xf32, #tpu.memory_space<vmem>> -> memref<1x100x128xf32, #tpu.memory_space<vmem>>
      %dma_wait3A_904 = tpu.memref_squeeze %dma_wait3A_903 : memref<1x100x128xf32, #tpu.memory_space<vmem>> -> memref<100x128xf32, #tpu.memory_space<vmem>>
      %dma_wait3A_905 = arith.constant 50 : i32
      %dma_wait3A_906 = arith.constant 0 : i32
      %dma_wait3A_907 = tpu.memref_slice %dma_wait3A_904[%dma_wait3A_905, %dma_wait3A_906] : memref<100x128xf32, #tpu.memory_space<vmem>> -> memref<50x128xf32, #tpu.memory_space<vmem>>
      %dma_wait3A_908 = arith.constant 0 : i32
      %dma_wait3A_909 = arith.constant 0 : i32
      %dma_wait3A_910 = tpu.memref_slice %arg4[%add3A_899, %dma_wait3A_908, %dma_wait3A_909] : memref<16384x50x128xf32, #tpu.memory_space<hbm>> -> memref<1x50x128xf32, #tpu.memory_space<hbm>>
      %dma_wait3A_911 = tpu.memref_squeeze %dma_wait3A_910 : memref<1x50x128xf32, #tpu.memory_space<hbm>> -> memref<50x128xf32, #tpu.memory_space<hbm>>
      %dma_wait3A_912 = arith.constant 0 : i32
      %dma_wait3A_913 = arith.constant 0 : i32
      %dma_wait3A_914 = tpu.memref_slice %arg4[%add3A_899, %dma_wait3A_912, %dma_wait3A_913] : memref<16384x50x128xf32, #tpu.memory_space<hbm>> -> memref<1x50x128xf32, #tpu.memory_space<hbm>>
      %dma_wait3A_915 = tpu.memref_squeeze %dma_wait3A_914 : memref<1x50x128xf32, #tpu.memory_space<hbm>> -> memref<50x128xf32, #tpu.memory_space<hbm>>
      %dma_wait3A_916 = arith.constant 0 : i32
      %dma_wait3A_917 = arith.constant 0 : i32
      %dma_wait3A_918 = tpu.memref_slice %arg6[%dma_wait3A_900, %dma_wait3A_916, %dma_wait3A_917] : memref<4x100x128xf32, #tpu.memory_space<vmem>> -> memref<1x100x128xf32, #tpu.memory_space<vmem>>
      %dma_wait3A_919 = tpu.memref_squeeze %dma_wait3A_918 : memref<1x100x128xf32, #tpu.memory_space<vmem>> -> memref<100x128xf32, #tpu.memory_space<vmem>>
      %dma_wait3A_920 = arith.constant 50 : i32
      %dma_wait3A_921 = arith.constant 0 : i32
      %dma_wait3A_922 = tpu.memref_slice %dma_wait3A_919[%dma_wait3A_920, %dma_wait3A_921] : memref<100x128xf32, #tpu.memory_space<vmem>> -> memref<50x128xf32, #tpu.memory_space<vmem>>
      tpu.wait_dma2 semaphore(%arg12 : memref<!tpu.dma_semaphore, #tpu.memory_space<semaphore_mem>>) src(%dma_wait3A_922 : memref<50x128xf32, #tpu.memory_space<vmem>>) dst(%dma_wait3A_915 : memref<50x128xf32, #tpu.memory_space<hbm>>)
      %add3A_923 = arith.constant 4 : i32
      %add3A_924 = arith.addi %add3A_869, %add3A_923 : i32
      %dma_start3A_925 = arith.constant 1 : i32
      %dma_start3A_926 = arith.constant 0 : i32
      %dma_start3A_927 = arith.constant 0 : i32
      %dma_start3A_928 = tpu.memref_slice %arg6[%dma_start3A_925, %dma_start3A_926, %dma_start3A_927] : memref<4x100x128xf32, #tpu.memory_space<vmem>> -> memref<1x100x128xf32, #tpu.memory_space<vmem>>
      %dma_start3A_929 = tpu.memref_squeeze %dma_start3A_928 : memref<1x100x128xf32, #tpu.memory_space<vmem>> -> memref<100x128xf32, #tpu.memory_space<vmem>>
      %dma_start3A_930 = arith.constant 0 : i32
      %dma_start3A_931 = tpu.memref_slice %arg5[%add3A_924, %dma_start3A_930] : memref<256x100xi32, #tpu.memory_space<vmem>> -> memref<1x100xi32, #tpu.memory_space<vmem>>
      %dma_start3A_932 = tpu.memref_squeeze %dma_start3A_931 : memref<1x100xi32, #tpu.memory_space<vmem>> -> memref<100xi32, #tpu.memory_space<vmem>>
      %dma_start3A_933 = arith.constant 0 : i32
      %dma_start3A_934 = arith.constant 0 : i32
      %dma_start3A_935 = tpu.memref_slice %arg3[%dma_start3A_933, %dma_start3A_934] : memref<100000x128xf32, #tpu.memory_space<hbm>> -> memref<100000x128xf32, #tpu.memory_space<hbm>>
      tpu.enqueue_indirect_dma source(%dma_start3A_935 : memref<100000x128xf32, #tpu.memory_space<hbm>>) target(%dma_start3A_929 : memref<100x128xf32, #tpu.memory_space<vmem>>) offsets(%dma_start3A_932 : memref<100xi32, #tpu.memory_space<vmem>>) semaphore(%arg8 : memref<!tpu.dma_semaphore, #tpu.memory_space<semaphore_mem>>)
      %mul3A_936 = arith.constant 4 : i32
      %mul3A_937 = arith.muli %add3A_523, %mul3A_936 : i32
      %add3A_938 = arith.constant 2 : i32
      %add3A_939 = arith.addi %mul3A_937, %add3A_938 : i32
      %mul3A_940 = arith.constant 2 : i32
      %mul3A_941 = arith.muli %add3A_939, %mul3A_940 : i32
      %add3A_942 = arith.addi %mul3A_4, %mul3A_941 : i32
      %add3A_943 = arith.constant 0 : i32
      %add3A_944 = arith.addi %add3A_942, %add3A_943 : i32
      %dma_wait3A_945 = arith.constant 2 : i32
      %dma_wait3A_946 = arith.constant 0 : i32
      %dma_wait3A_947 = arith.constant 0 : i32
      %dma_wait3A_948 = tpu.memref_slice %arg6[%dma_wait3A_945, %dma_wait3A_946, %dma_wait3A_947] : memref<4x100x128xf32, #tpu.memory_space<vmem>> -> memref<1x100x128xf32, #tpu.memory_space<vmem>>
      %dma_wait3A_949 = tpu.memref_squeeze %dma_wait3A_948 : memref<1x100x128xf32, #tpu.memory_space<vmem>> -> memref<100x128xf32, #tpu.memory_space<vmem>>
      %dma_wait3A_950 = arith.constant 0 : i32
      %dma_wait3A_951 = arith.constant 0 : i32
      %dma_wait3A_952 = tpu.memref_slice %dma_wait3A_949[%dma_wait3A_950, %dma_wait3A_951] : memref<100x128xf32, #tpu.memory_space<vmem>> -> memref<50x128xf32, #tpu.memory_space<vmem>>
      %dma_wait3A_953 = arith.constant 0 : i32
      %dma_wait3A_954 = arith.constant 0 : i32
      %dma_wait3A_955 = tpu.memref_slice %arg4[%add3A_944, %dma_wait3A_953, %dma_wait3A_954] : memref<16384x50x128xf32, #tpu.memory_space<hbm>> -> memref<1x50x128xf32, #tpu.memory_space<hbm>>
      %dma_wait3A_956 = tpu.memref_squeeze %dma_wait3A_955 : memref<1x50x128xf32, #tpu.memory_space<hbm>> -> memref<50x128xf32, #tpu.memory_space<hbm>>
      %dma_wait3A_957 = arith.constant 0 : i32
      %dma_wait3A_958 = arith.constant 0 : i32
      %dma_wait3A_959 = tpu.memref_slice %arg4[%add3A_944, %dma_wait3A_957, %dma_wait3A_958] : memref<16384x50x128xf32, #tpu.memory_space<hbm>> -> memref<1x50x128xf32, #tpu.memory_space<hbm>>
      %dma_wait3A_960 = tpu.memref_squeeze %dma_wait3A_959 : memref<1x50x128xf32, #tpu.memory_space<hbm>> -> memref<50x128xf32, #tpu.memory_space<hbm>>
      %dma_wait3A_961 = arith.constant 0 : i32
      %dma_wait3A_962 = arith.constant 0 : i32
      %dma_wait3A_963 = tpu.memref_slice %arg6[%dma_wait3A_945, %dma_wait3A_961, %dma_wait3A_962] : memref<4x100x128xf32, #tpu.memory_space<vmem>> -> memref<1x100x128xf32, #tpu.memory_space<vmem>>
      %dma_wait3A_964 = tpu.memref_squeeze %dma_wait3A_963 : memref<1x100x128xf32, #tpu.memory_space<vmem>> -> memref<100x128xf32, #tpu.memory_space<vmem>>
      %dma_wait3A_965 = arith.constant 0 : i32
      %dma_wait3A_966 = arith.constant 0 : i32
      %dma_wait3A_967 = tpu.memref_slice %dma_wait3A_964[%dma_wait3A_965, %dma_wait3A_966] : memref<100x128xf32, #tpu.memory_space<vmem>> -> memref<50x128xf32, #tpu.memory_space<vmem>>
      tpu.wait_dma2 semaphore(%arg13 : memref<!tpu.dma_semaphore, #tpu.memory_space<semaphore_mem>>) src(%dma_wait3A_967 : memref<50x128xf32, #tpu.memory_space<vmem>>) dst(%dma_wait3A_960 : memref<50x128xf32, #tpu.memory_space<hbm>>)
      %add3A_968 = arith.constant 1 : i32
      %add3A_969 = arith.addi %add3A_942, %add3A_968 : i32
      %dma_wait3A_970 = arith.constant 2 : i32
      %dma_wait3A_971 = arith.constant 0 : i32
      %dma_wait3A_972 = arith.constant 0 : i32
      %dma_wait3A_973 = tpu.memref_slice %arg6[%dma_wait3A_970, %dma_wait3A_971, %dma_wait3A_972] : memref<4x100x128xf32, #tpu.memory_space<vmem>> -> memref<1x100x128xf32, #tpu.memory_space<vmem>>
      %dma_wait3A_974 = tpu.memref_squeeze %dma_wait3A_973 : memref<1x100x128xf32, #tpu.memory_space<vmem>> -> memref<100x128xf32, #tpu.memory_space<vmem>>
      %dma_wait3A_975 = arith.constant 50 : i32
      %dma_wait3A_976 = arith.constant 0 : i32
      %dma_wait3A_977 = tpu.memref_slice %dma_wait3A_974[%dma_wait3A_975, %dma_wait3A_976] : memref<100x128xf32, #tpu.memory_space<vmem>> -> memref<50x128xf32, #tpu.memory_space<vmem>>
      %dma_wait3A_978 = arith.constant 0 : i32
      %dma_wait3A_979 = arith.constant 0 : i32
      %dma_wait3A_980 = tpu.memref_slice %arg4[%add3A_969, %dma_wait3A_978, %dma_wait3A_979] : memref<16384x50x128xf32, #tpu.memory_space<hbm>> -> memref<1x50x128xf32, #tpu.memory_space<hbm>>
      %dma_wait3A_981 = tpu.memref_squeeze %dma_wait3A_980 : memref<1x50x128xf32, #tpu.memory_space<hbm>> -> memref<50x128xf32, #tpu.memory_space<hbm>>
      %dma_wait3A_982 = arith.constant 0 : i32
      %dma_wait3A_983 = arith.constant 0 : i32
      %dma_wait3A_984 = tpu.memref_slice %arg4[%add3A_969, %dma_wait3A_982, %dma_wait3A_983] : memref<16384x50x128xf32, #tpu.memory_space<hbm>> -> memref<1x50x128xf32, #tpu.memory_space<hbm>>
      %dma_wait3A_985 = tpu.memref_squeeze %dma_wait3A_984 : memref<1x50x128xf32, #tpu.memory_space<hbm>> -> memref<50x128xf32, #tpu.memory_space<hbm>>
      %dma_wait3A_986 = arith.constant 0 : i32
      %dma_wait3A_987 = arith.constant 0 : i32
      %dma_wait3A_988 = tpu.memref_slice %arg6[%dma_wait3A_970, %dma_wait3A_986, %dma_wait3A_987] : memref<4x100x128xf32, #tpu.memory_space<vmem>> -> memref<1x100x128xf32, #tpu.memory_space<vmem>>
      %dma_wait3A_989 = tpu.memref_squeeze %dma_wait3A_988 : memref<1x100x128xf32, #tpu.memory_space<vmem>> -> memref<100x128xf32, #tpu.memory_space<vmem>>
      %dma_wait3A_990 = arith.constant 50 : i32
      %dma_wait3A_991 = arith.constant 0 : i32
      %dma_wait3A_992 = tpu.memref_slice %dma_wait3A_989[%dma_wait3A_990, %dma_wait3A_991] : memref<100x128xf32, #tpu.memory_space<vmem>> -> memref<50x128xf32, #tpu.memory_space<vmem>>
      tpu.wait_dma2 semaphore(%arg13 : memref<!tpu.dma_semaphore, #tpu.memory_space<semaphore_mem>>) src(%dma_wait3A_992 : memref<50x128xf32, #tpu.memory_space<vmem>>) dst(%dma_wait3A_985 : memref<50x128xf32, #tpu.memory_space<hbm>>)
      %add3A_993 = arith.constant 4 : i32
      %add3A_994 = arith.addi %add3A_939, %add3A_993 : i32
      %dma_start3A_995 = arith.constant 2 : i32
      %dma_start3A_996 = arith.constant 0 : i32
      %dma_start3A_997 = arith.constant 0 : i32
      %dma_start3A_998 = tpu.memref_slice %arg6[%dma_start3A_995, %dma_start3A_996, %dma_start3A_997] : memref<4x100x128xf32, #tpu.memory_space<vmem>> -> memref<1x100x128xf32, #tpu.memory_space<vmem>>
      %dma_start3A_999 = tpu.memref_squeeze %dma_start3A_998 : memref<1x100x128xf32, #tpu.memory_space<vmem>> -> memref<100x128xf32, #tpu.memory_space<vmem>>
      %dma_start3A_1000 = arith.constant 0 : i32
      %dma_start3A_1001 = tpu.memref_slice %arg5[%add3A_994, %dma_start3A_1000] : memref<256x100xi32, #tpu.memory_space<vmem>> -> memref<1x100xi32, #tpu.memory_space<vmem>>
      %dma_start3A_1002 = tpu.memref_squeeze %dma_start3A_1001 : memref<1x100xi32, #tpu.memory_space<vmem>> -> memref<100xi32, #tpu.memory_space<vmem>>
      %dma_start3A_1003 = arith.constant 0 : i32
      %dma_start3A_1004 = arith.constant 0 : i32
      %dma_start3A_1005 = tpu.memref_slice %arg3[%dma_start3A_1003, %dma_start3A_1004] : memref<100000x128xf32, #tpu.memory_space<hbm>> -> memref<100000x128xf32, #tpu.memory_space<hbm>>
      tpu.enqueue_indirect_dma source(%dma_start3A_1005 : memref<100000x128xf32, #tpu.memory_space<hbm>>) target(%dma_start3A_999 : memref<100x128xf32, #tpu.memory_space<vmem>>) offsets(%dma_start3A_1002 : memref<100xi32, #tpu.memory_space<vmem>>) semaphore(%arg9 : memref<!tpu.dma_semaphore, #tpu.memory_space<semaphore_mem>>)
      %mul3A_1006 = arith.constant 4 : i32
      %mul3A_1007 = arith.muli %add3A_523, %mul3A_1006 : i32
      %add3A_1008 = arith.constant 3 : i32
      %add3A_1009 = arith.addi %mul3A_1007, %add3A_1008 : i32
      %mul3A_1010 = arith.constant 2 : i32
      %mul3A_1011 = arith.muli %add3A_1009, %mul3A_1010 : i32
      %add3A_1012 = arith.addi %mul3A_4, %mul3A_1011 : i32
      %add3A_1013 = arith.constant 0 : i32
      %add3A_1014 = arith.addi %add3A_1012, %add3A_1013 : i32
      %dma_wait3A_1015 = arith.constant 3 : i32
      %dma_wait3A_1016 = arith.constant 0 : i32
      %dma_wait3A_1017 = arith.constant 0 : i32
      %dma_wait3A_1018 = tpu.memref_slice %arg6[%dma_wait3A_1015, %dma_wait3A_1016, %dma_wait3A_1017] : memref<4x100x128xf32, #tpu.memory_space<vmem>> -> memref<1x100x128xf32, #tpu.memory_space<vmem>>
      %dma_wait3A_1019 = tpu.memref_squeeze %dma_wait3A_1018 : memref<1x100x128xf32, #tpu.memory_space<vmem>> -> memref<100x128xf32, #tpu.memory_space<vmem>>
      %dma_wait3A_1020 = arith.constant 0 : i32
      %dma_wait3A_1021 = arith.constant 0 : i32
      %dma_wait3A_1022 = tpu.memref_slice %dma_wait3A_1019[%dma_wait3A_1020, %dma_wait3A_1021] : memref<100x128xf32, #tpu.memory_space<vmem>> -> memref<50x128xf32, #tpu.memory_space<vmem>>
      %dma_wait3A_1023 = arith.constant 0 : i32
      %dma_wait3A_1024 = arith.constant 0 : i32
      %dma_wait3A_1025 = tpu.memref_slice %arg4[%add3A_1014, %dma_wait3A_1023, %dma_wait3A_1024] : memref<16384x50x128xf32, #tpu.memory_space<hbm>> -> memref<1x50x128xf32, #tpu.memory_space<hbm>>
      %dma_wait3A_1026 = tpu.memref_squeeze %dma_wait3A_1025 : memref<1x50x128xf32, #tpu.memory_space<hbm>> -> memref<50x128xf32, #tpu.memory_space<hbm>>
      %dma_wait3A_1027 = arith.constant 0 : i32
      %dma_wait3A_1028 = arith.constant 0 : i32
      %dma_wait3A_1029 = tpu.memref_slice %arg4[%add3A_1014, %dma_wait3A_1027, %dma_wait3A_1028] : memref<16384x50x128xf32, #tpu.memory_space<hbm>> -> memref<1x50x128xf32, #tpu.memory_space<hbm>>
      %dma_wait3A_1030 = tpu.memref_squeeze %dma_wait3A_1029 : memref<1x50x128xf32, #tpu.memory_space<hbm>> -> memref<50x128xf32, #tpu.memory_space<hbm>>
      %dma_wait3A_1031 = arith.constant 0 : i32
      %dma_wait3A_1032 = arith.constant 0 : i32
      %dma_wait3A_1033 = tpu.memref_slice %arg6[%dma_wait3A_1015, %dma_wait3A_1031, %dma_wait3A_1032] : memref<4x100x128xf32, #tpu.memory_space<vmem>> -> memref<1x100x128xf32, #tpu.memory_space<vmem>>
      %dma_wait3A_1034 = tpu.memref_squeeze %dma_wait3A_1033 : memref<1x100x128xf32, #tpu.memory_space<vmem>> -> memref<100x128xf32, #tpu.memory_space<vmem>>
      %dma_wait3A_1035 = arith.constant 0 : i32
      %dma_wait3A_1036 = arith.constant 0 : i32
      %dma_wait3A_1037 = tpu.memref_slice %dma_wait3A_1034[%dma_wait3A_1035, %dma_wait3A_1036] : memref<100x128xf32, #tpu.memory_space<vmem>> -> memref<50x128xf32, #tpu.memory_space<vmem>>
      tpu.wait_dma2 semaphore(%arg14 : memref<!tpu.dma_semaphore, #tpu.memory_space<semaphore_mem>>) src(%dma_wait3A_1037 : memref<50x128xf32, #tpu.memory_space<vmem>>) dst(%dma_wait3A_1030 : memref<50x128xf32, #tpu.memory_space<hbm>>)
      %add3A_1038 = arith.constant 1 : i32
      %add3A_1039 = arith.addi %add3A_1012, %add3A_1038 : i32
      %dma_wait3A_1040 = arith.constant 3 : i32
      %dma_wait3A_1041 = arith.constant 0 : i32
      %dma_wait3A_1042 = arith.constant 0 : i32
      %dma_wait3A_1043 = tpu.memref_slice %arg6[%dma_wait3A_1040, %dma_wait3A_1041, %dma_wait3A_1042] : memref<4x100x128xf32, #tpu.memory_space<vmem>> -> memref<1x100x128xf32, #tpu.memory_space<vmem>>
      %dma_wait3A_1044 = tpu.memref_squeeze %dma_wait3A_1043 : memref<1x100x128xf32, #tpu.memory_space<vmem>> -> memref<100x128xf32, #tpu.memory_space<vmem>>
      %dma_wait3A_1045 = arith.constant 50 : i32
      %dma_wait3A_1046 = arith.constant 0 : i32
      %dma_wait3A_1047 = tpu.memref_slice %dma_wait3A_1044[%dma_wait3A_1045, %dma_wait3A_1046] : memref<100x128xf32, #tpu.memory_space<vmem>> -> memref<50x128xf32, #tpu.memory_space<vmem>>
      %dma_wait3A_1048 = arith.constant 0 : i32
      %dma_wait3A_1049 = arith.constant 0 : i32
      %dma_wait3A_1050 = tpu.memref_slice %arg4[%add3A_1039, %dma_wait3A_1048, %dma_wait3A_1049] : memref<16384x50x128xf32, #tpu.memory_space<hbm>> -> memref<1x50x128xf32, #tpu.memory_space<hbm>>
      %dma_wait3A_1051 = tpu.memref_squeeze %dma_wait3A_1050 : memref<1x50x128xf32, #tpu.memory_space<hbm>> -> memref<50x128xf32, #tpu.memory_space<hbm>>
      %dma_wait3A_1052 = arith.constant 0 : i32
      %dma_wait3A_1053 = arith.constant 0 : i32
      %dma_wait3A_1054 = tpu.memref_slice %arg4[%add3A_1039, %dma_wait3A_1052, %dma_wait3A_1053] : memref<16384x50x128xf32, #tpu.memory_space<hbm>> -> memref<1x50x128xf32, #tpu.memory_space<hbm>>
      %dma_wait3A_1055 = tpu.memref_squeeze %dma_wait3A_1054 : memref<1x50x128xf32, #tpu.memory_space<hbm>> -> memref<50x128xf32, #tpu.memory_space<hbm>>
      %dma_wait3A_1056 = arith.constant 0 : i32
      %dma_wait3A_1057 = arith.constant 0 : i32
      %dma_wait3A_1058 = tpu.memref_slice %arg6[%dma_wait3A_1040, %dma_wait3A_1056, %dma_wait3A_1057] : memref<4x100x128xf32, #tpu.memory_space<vmem>> -> memref<1x100x128xf32, #tpu.memory_space<vmem>>
      %dma_wait3A_1059 = tpu.memref_squeeze %dma_wait3A_1058 : memref<1x100x128xf32, #tpu.memory_space<vmem>> -> memref<100x128xf32, #tpu.memory_space<vmem>>
      %dma_wait3A_1060 = arith.constant 50 : i32
      %dma_wait3A_1061 = arith.constant 0 : i32
      %dma_wait3A_1062 = tpu.memref_slice %dma_wait3A_1059[%dma_wait3A_1060, %dma_wait3A_1061] : memref<100x128xf32, #tpu.memory_space<vmem>> -> memref<50x128xf32, #tpu.memory_space<vmem>>
      tpu.wait_dma2 semaphore(%arg14 : memref<!tpu.dma_semaphore, #tpu.memory_space<semaphore_mem>>) src(%dma_wait3A_1062 : memref<50x128xf32, #tpu.memory_space<vmem>>) dst(%dma_wait3A_1055 : memref<50x128xf32, #tpu.memory_space<hbm>>)
      %add3A_1063 = arith.constant 4 : i32
      %add3A_1064 = arith.addi %add3A_1009, %add3A_1063 : i32
      %dma_start3A_1065 = arith.constant 3 : i32
      %dma_start3A_1066 = arith.constant 0 : i32
      %dma_start3A_1067 = arith.constant 0 : i32
      %dma_start3A_1068 = tpu.memref_slice %arg6[%dma_start3A_1065, %dma_start3A_1066, %dma_start3A_1067] : memref<4x100x128xf32, #tpu.memory_space<vmem>> -> memref<1x100x128xf32, #tpu.memory_space<vmem>>
      %dma_start3A_1069 = tpu.memref_squeeze %dma_start3A_1068 : memref<1x100x128xf32, #tpu.memory_space<vmem>> -> memref<100x128xf32, #tpu.memory_space<vmem>>
      %dma_start3A_1070 = arith.constant 0 : i32
      %dma_start3A_1071 = tpu.memref_slice %arg5[%add3A_1064, %dma_start3A_1070] : memref<256x100xi32, #tpu.memory_space<vmem>> -> memref<1x100xi32, #tpu.memory_space<vmem>>
      %dma_start3A_1072 = tpu.memref_squeeze %dma_start3A_1071 : memref<1x100xi32, #tpu.memory_space<vmem>> -> memref<100xi32, #tpu.memory_space<vmem>>
      %dma_start3A_1073 = arith.constant 0 : i32
      %dma_start3A_1074 = arith.constant 0 : i32
      %dma_start3A_1075 = tpu.memref_slice %arg3[%dma_start3A_1073, %dma_start3A_1074] : memref<100000x128xf32, #tpu.memory_space<hbm>> -> memref<100000x128xf32, #tpu.memory_space<hbm>>
      tpu.enqueue_indirect_dma source(%dma_start3A_1075 : memref<100000x128xf32, #tpu.memory_space<hbm>>) target(%dma_start3A_1069 : memref<100x128xf32, #tpu.memory_space<vmem>>) offsets(%dma_start3A_1072 : memref<100xi32, #tpu.memory_space<vmem>>) semaphore(%arg10 : memref<!tpu.dma_semaphore, #tpu.memory_space<semaphore_mem>>)
    }
    %scan3A_55 = arith.constant 63 : i32
    %dma_wait3A = arith.constant 252 : i32
    %dma_wait3A_56 = arith.constant 0 : i32
    %dma_wait3A_57 = arith.constant 0 : i32
    %dma_wait3A_58 = arith.constant 0 : i32
    %dma_wait3A_59 = tpu.memref_slice %arg6[%dma_wait3A_56, %dma_wait3A_57, %dma_wait3A_58] : memref<4x100x128xf32, #tpu.memory_space<vmem>> -> memref<1x100x128xf32, #tpu.memory_space<vmem>>
    %dma_wait3A_60 = tpu.memref_squeeze %dma_wait3A_59 : memref<1x100x128xf32, #tpu.memory_space<vmem>> -> memref<100x128xf32, #tpu.memory_space<vmem>>
    %dma_wait3A_61 = arith.constant 0 : i32
    %dma_wait3A_62 = tpu.memref_slice %arg5[%dma_wait3A, %dma_wait3A_61] : memref<256x100xi32, #tpu.memory_space<vmem>> -> memref<1x100xi32, #tpu.memory_space<vmem>>
    %dma_wait3A_63 = tpu.memref_squeeze %dma_wait3A_62 : memref<1x100xi32, #tpu.memory_space<vmem>> -> memref<100xi32, #tpu.memory_space<vmem>>
    %dma_wait3A_64 = arith.constant 0 : i32
    %dma_wait3A_65 = arith.constant 0 : i32
    %dma_wait3A_66 = tpu.memref_slice %arg3[%dma_wait3A_64, %dma_wait3A_65] : memref<100000x128xf32, #tpu.memory_space<hbm>> -> memref<100000x128xf32, #tpu.memory_space<hbm>>
    tpu.wait_indirect_dma semaphore(%arg7 : memref<!tpu.dma_semaphore, #tpu.memory_space<semaphore_mem>>) src(%dma_wait3A_66 : memref<100000x128xf32, #tpu.memory_space<hbm>>) dst(%dma_wait3A_60 : memref<100x128xf32, #tpu.memory_space<vmem>>)
    %add3A_67 = arith.constant 504 : i32
    %add3A_68 = arith.addi %mul3A_4, %add3A_67 : i32
    %add3A_69 = arith.constant 0 : i32
    %add3A_70 = arith.addi %add3A_68, %add3A_69 : i32
    %dma_start3A_71 = arith.constant 0 : i32
    %dma_start3A_72 = arith.constant 0 : i32
    %dma_start3A_73 = arith.constant 0 : i32
    %dma_start3A_74 = tpu.memref_slice %arg6[%dma_start3A_71, %dma_start3A_72, %dma_start3A_73] : memref<4x100x128xf32, #tpu.memory_space<vmem>> -> memref<1x100x128xf32, #tpu.memory_space<vmem>>
    %dma_start3A_75 = tpu.memref_squeeze %dma_start3A_74 : memref<1x100x128xf32, #tpu.memory_space<vmem>> -> memref<100x128xf32, #tpu.memory_space<vmem>>
    %dma_start3A_76 = arith.constant 0 : i32
    %dma_start3A_77 = arith.constant 0 : i32
    %dma_start3A_78 = tpu.memref_slice %dma_start3A_75[%dma_start3A_76, %dma_start3A_77] : memref<100x128xf32, #tpu.memory_space<vmem>> -> memref<50x128xf32, #tpu.memory_space<vmem>>
    %dma_start3A_79 = arith.constant 0 : i32
    %dma_start3A_80 = arith.constant 0 : i32
    %dma_start3A_81 = tpu.memref_slice %arg4[%add3A_70, %dma_start3A_79, %dma_start3A_80] : memref<16384x50x128xf32, #tpu.memory_space<hbm>> -> memref<1x50x128xf32, #tpu.memory_space<hbm>>
    %dma_start3A_82 = tpu.memref_squeeze %dma_start3A_81 : memref<1x50x128xf32, #tpu.memory_space<hbm>> -> memref<50x128xf32, #tpu.memory_space<hbm>>
    %dma_start3A_83 = arith.constant 0 : i32
    %dma_start3A_84 = arith.constant 0 : i32
    %dma_start3A_85 = tpu.memref_slice %arg4[%add3A_70, %dma_start3A_83, %dma_start3A_84] : memref<16384x50x128xf32, #tpu.memory_space<hbm>> -> memref<1x50x128xf32, #tpu.memory_space<hbm>>
    %dma_start3A_86 = tpu.memref_squeeze %dma_start3A_85 : memref<1x50x128xf32, #tpu.memory_space<hbm>> -> memref<50x128xf32, #tpu.memory_space<hbm>>
    %dma_start3A_87 = arith.constant 0 : i32
    %dma_start3A_88 = arith.constant 0 : i32
    %dma_start3A_89 = tpu.memref_slice %arg6[%dma_start3A_71, %dma_start3A_87, %dma_start3A_88] : memref<4x100x128xf32, #tpu.memory_space<vmem>> -> memref<1x100x128xf32, #tpu.memory_space<vmem>>
    %dma_start3A_90 = tpu.memref_squeeze %dma_start3A_89 : memref<1x100x128xf32, #tpu.memory_space<vmem>> -> memref<100x128xf32, #tpu.memory_space<vmem>>
    %dma_start3A_91 = arith.constant 0 : i32
    %dma_start3A_92 = arith.constant 0 : i32
    %dma_start3A_93 = tpu.memref_slice %dma_start3A_90[%dma_start3A_91, %dma_start3A_92] : memref<100x128xf32, #tpu.memory_space<vmem>> -> memref<50x128xf32, #tpu.memory_space<vmem>>
    tpu.enqueue_dma source(%dma_start3A_93 : memref<50x128xf32, #tpu.memory_space<vmem>>) target(%dma_start3A_86 : memref<50x128xf32, #tpu.memory_space<hbm>>) target_semaphore(%arg11 : memref<!tpu.dma_semaphore, #tpu.memory_space<semaphore_mem>>)
    %add3A_94 = arith.constant 1 : i32
    %add3A_95 = arith.addi %add3A_68, %add3A_94 : i32
    %dma_start3A_96 = arith.constant 0 : i32
    %dma_start3A_97 = arith.constant 0 : i32
    %dma_start3A_98 = arith.constant 0 : i32
    %dma_start3A_99 = tpu.memref_slice %arg6[%dma_start3A_96, %dma_start3A_97, %dma_start3A_98] : memref<4x100x128xf32, #tpu.memory_space<vmem>> -> memref<1x100x128xf32, #tpu.memory_space<vmem>>
    %dma_start3A_100 = tpu.memref_squeeze %dma_start3A_99 : memref<1x100x128xf32, #tpu.memory_space<vmem>> -> memref<100x128xf32, #tpu.memory_space<vmem>>
    %dma_start3A_101 = arith.constant 50 : i32
    %dma_start3A_102 = arith.constant 0 : i32
    %dma_start3A_103 = tpu.memref_slice %dma_start3A_100[%dma_start3A_101, %dma_start3A_102] : memref<100x128xf32, #tpu.memory_space<vmem>> -> memref<50x128xf32, #tpu.memory_space<vmem>>
    %dma_start3A_104 = arith.constant 0 : i32
    %dma_start3A_105 = arith.constant 0 : i32
    %dma_start3A_106 = tpu.memref_slice %arg4[%add3A_95, %dma_start3A_104, %dma_start3A_105] : memref<16384x50x128xf32, #tpu.memory_space<hbm>> -> memref<1x50x128xf32, #tpu.memory_space<hbm>>
    %dma_start3A_107 = tpu.memref_squeeze %dma_start3A_106 : memref<1x50x128xf32, #tpu.memory_space<hbm>> -> memref<50x128xf32, #tpu.memory_space<hbm>>
    %dma_start3A_108 = arith.constant 0 : i32
    %dma_start3A_109 = arith.constant 0 : i32
    %dma_start3A_110 = tpu.memref_slice %arg4[%add3A_95, %dma_start3A_108, %dma_start3A_109] : memref<16384x50x128xf32, #tpu.memory_space<hbm>> -> memref<1x50x128xf32, #tpu.memory_space<hbm>>
    %dma_start3A_111 = tpu.memref_squeeze %dma_start3A_110 : memref<1x50x128xf32, #tpu.memory_space<hbm>> -> memref<50x128xf32, #tpu.memory_space<hbm>>
    %dma_start3A_112 = arith.constant 0 : i32
    %dma_start3A_113 = arith.constant 0 : i32
    %dma_start3A_114 = tpu.memref_slice %arg6[%dma_start3A_96, %dma_start3A_112, %dma_start3A_113] : memref<4x100x128xf32, #tpu.memory_space<vmem>> -> memref<1x100x128xf32, #tpu.memory_space<vmem>>
    %dma_start3A_115 = tpu.memref_squeeze %dma_start3A_114 : memref<1x100x128xf32, #tpu.memory_space<vmem>> -> memref<100x128xf32, #tpu.memory_space<vmem>>
    %dma_start3A_116 = arith.constant 50 : i32
    %dma_start3A_117 = arith.constant 0 : i32
    %dma_start3A_118 = tpu.memref_slice %dma_start3A_115[%dma_start3A_116, %dma_start3A_117] : memref<100x128xf32, #tpu.memory_space<vmem>> -> memref<50x128xf32, #tpu.memory_space<vmem>>
    tpu.enqueue_dma source(%dma_start3A_118 : memref<50x128xf32, #tpu.memory_space<vmem>>) target(%dma_start3A_111 : memref<50x128xf32, #tpu.memory_space<hbm>>) target_semaphore(%arg11 : memref<!tpu.dma_semaphore, #tpu.memory_space<semaphore_mem>>)
    %dma_wait3A_119 = arith.constant 253 : i32
    %dma_wait3A_120 = arith.constant 1 : i32
    %dma_wait3A_121 = arith.constant 0 : i32
    %dma_wait3A_122 = arith.constant 0 : i32
    %dma_wait3A_123 = tpu.memref_slice %arg6[%dma_wait3A_120, %dma_wait3A_121, %dma_wait3A_122] : memref<4x100x128xf32, #tpu.memory_space<vmem>> -> memref<1x100x128xf32, #tpu.memory_space<vmem>>
    %dma_wait3A_124 = tpu.memref_squeeze %dma_wait3A_123 : memref<1x100x128xf32, #tpu.memory_space<vmem>> -> memref<100x128xf32, #tpu.memory_space<vmem>>
    %dma_wait3A_125 = arith.constant 0 : i32
    %dma_wait3A_126 = tpu.memref_slice %arg5[%dma_wait3A_119, %dma_wait3A_125] : memref<256x100xi32, #tpu.memory_space<vmem>> -> memref<1x100xi32, #tpu.memory_space<vmem>>
    %dma_wait3A_127 = tpu.memref_squeeze %dma_wait3A_126 : memref<1x100xi32, #tpu.memory_space<vmem>> -> memref<100xi32, #tpu.memory_space<vmem>>
    %dma_wait3A_128 = arith.constant 0 : i32
    %dma_wait3A_129 = arith.constant 0 : i32
    %dma_wait3A_130 = tpu.memref_slice %arg3[%dma_wait3A_128, %dma_wait3A_129] : memref<100000x128xf32, #tpu.memory_space<hbm>> -> memref<100000x128xf32, #tpu.memory_space<hbm>>
    tpu.wait_indirect_dma semaphore(%arg8 : memref<!tpu.dma_semaphore, #tpu.memory_space<semaphore_mem>>) src(%dma_wait3A_130 : memref<100000x128xf32, #tpu.memory_space<hbm>>) dst(%dma_wait3A_124 : memref<100x128xf32, #tpu.memory_space<vmem>>)
    %add3A_131 = arith.constant 506 : i32
    %add3A_132 = arith.addi %mul3A_4, %add3A_131 : i32
    %add3A_133 = arith.constant 0 : i32
    %add3A_134 = arith.addi %add3A_132, %add3A_133 : i32
    %dma_start3A_135 = arith.constant 1 : i32
    %dma_start3A_136 = arith.constant 0 : i32
    %dma_start3A_137 = arith.constant 0 : i32
    %dma_start3A_138 = tpu.memref_slice %arg6[%dma_start3A_135, %dma_start3A_136, %dma_start3A_137] : memref<4x100x128xf32, #tpu.memory_space<vmem>> -> memref<1x100x128xf32, #tpu.memory_space<vmem>>
    %dma_start3A_139 = tpu.memref_squeeze %dma_start3A_138 : memref<1x100x128xf32, #tpu.memory_space<vmem>> -> memref<100x128xf32, #tpu.memory_space<vmem>>
    %dma_start3A_140 = arith.constant 0 : i32
    %dma_start3A_141 = arith.constant 0 : i32
    %dma_start3A_142 = tpu.memref_slice %dma_start3A_139[%dma_start3A_140, %dma_start3A_141] : memref<100x128xf32, #tpu.memory_space<vmem>> -> memref<50x128xf32, #tpu.memory_space<vmem>>
    %dma_start3A_143 = arith.constant 0 : i32
    %dma_start3A_144 = arith.constant 0 : i32
    %dma_start3A_145 = tpu.memref_slice %arg4[%add3A_134, %dma_start3A_143, %dma_start3A_144] : memref<16384x50x128xf32, #tpu.memory_space<hbm>> -> memref<1x50x128xf32, #tpu.memory_space<hbm>>
    %dma_start3A_146 = tpu.memref_squeeze %dma_start3A_145 : memref<1x50x128xf32, #tpu.memory_space<hbm>> -> memref<50x128xf32, #tpu.memory_space<hbm>>
    %dma_start3A_147 = arith.constant 0 : i32
    %dma_start3A_148 = arith.constant 0 : i32
    %dma_start3A_149 = tpu.memref_slice %arg4[%add3A_134, %dma_start3A_147, %dma_start3A_148] : memref<16384x50x128xf32, #tpu.memory_space<hbm>> -> memref<1x50x128xf32, #tpu.memory_space<hbm>>
    %dma_start3A_150 = tpu.memref_squeeze %dma_start3A_149 : memref<1x50x128xf32, #tpu.memory_space<hbm>> -> memref<50x128xf32, #tpu.memory_space<hbm>>
    %dma_start3A_151 = arith.constant 0 : i32
    %dma_start3A_152 = arith.constant 0 : i32
    %dma_start3A_153 = tpu.memref_slice %arg6[%dma_start3A_135, %dma_start3A_151, %dma_start3A_152] : memref<4x100x128xf32, #tpu.memory_space<vmem>> -> memref<1x100x128xf32, #tpu.memory_space<vmem>>
    %dma_start3A_154 = tpu.memref_squeeze %dma_start3A_153 : memref<1x100x128xf32, #tpu.memory_space<vmem>> -> memref<100x128xf32, #tpu.memory_space<vmem>>
    %dma_start3A_155 = arith.constant 0 : i32
    %dma_start3A_156 = arith.constant 0 : i32
    %dma_start3A_157 = tpu.memref_slice %dma_start3A_154[%dma_start3A_155, %dma_start3A_156] : memref<100x128xf32, #tpu.memory_space<vmem>> -> memref<50x128xf32, #tpu.memory_space<vmem>>
    tpu.enqueue_dma source(%dma_start3A_157 : memref<50x128xf32, #tpu.memory_space<vmem>>) target(%dma_start3A_150 : memref<50x128xf32, #tpu.memory_space<hbm>>) target_semaphore(%arg12 : memref<!tpu.dma_semaphore, #tpu.memory_space<semaphore_mem>>)
    %add3A_158 = arith.constant 1 : i32
    %add3A_159 = arith.addi %add3A_132, %add3A_158 : i32
    %dma_start3A_160 = arith.constant 1 : i32
    %dma_start3A_161 = arith.constant 0 : i32
    %dma_start3A_162 = arith.constant 0 : i32
    %dma_start3A_163 = tpu.memref_slice %arg6[%dma_start3A_160, %dma_start3A_161, %dma_start3A_162] : memref<4x100x128xf32, #tpu.memory_space<vmem>> -> memref<1x100x128xf32, #tpu.memory_space<vmem>>
    %dma_start3A_164 = tpu.memref_squeeze %dma_start3A_163 : memref<1x100x128xf32, #tpu.memory_space<vmem>> -> memref<100x128xf32, #tpu.memory_space<vmem>>
    %dma_start3A_165 = arith.constant 50 : i32
    %dma_start3A_166 = arith.constant 0 : i32
    %dma_start3A_167 = tpu.memref_slice %dma_start3A_164[%dma_start3A_165, %dma_start3A_166] : memref<100x128xf32, #tpu.memory_space<vmem>> -> memref<50x128xf32, #tpu.memory_space<vmem>>
    %dma_start3A_168 = arith.constant 0 : i32
    %dma_start3A_169 = arith.constant 0 : i32
    %dma_start3A_170 = tpu.memref_slice %arg4[%add3A_159, %dma_start3A_168, %dma_start3A_169] : memref<16384x50x128xf32, #tpu.memory_space<hbm>> -> memref<1x50x128xf32, #tpu.memory_space<hbm>>
    %dma_start3A_171 = tpu.memref_squeeze %dma_start3A_170 : memref<1x50x128xf32, #tpu.memory_space<hbm>> -> memref<50x128xf32, #tpu.memory_space<hbm>>
    %dma_start3A_172 = arith.constant 0 : i32
    %dma_start3A_173 = arith.constant 0 : i32
    %dma_start3A_174 = tpu.memref_slice %arg4[%add3A_159, %dma_start3A_172, %dma_start3A_173] : memref<16384x50x128xf32, #tpu.memory_space<hbm>> -> memref<1x50x128xf32, #tpu.memory_space<hbm>>
    %dma_start3A_175 = tpu.memref_squeeze %dma_start3A_174 : memref<1x50x128xf32, #tpu.memory_space<hbm>> -> memref<50x128xf32, #tpu.memory_space<hbm>>
    %dma_start3A_176 = arith.constant 0 : i32
    %dma_start3A_177 = arith.constant 0 : i32
    %dma_start3A_178 = tpu.memref_slice %arg6[%dma_start3A_160, %dma_start3A_176, %dma_start3A_177] : memref<4x100x128xf32, #tpu.memory_space<vmem>> -> memref<1x100x128xf32, #tpu.memory_space<vmem>>
    %dma_start3A_179 = tpu.memref_squeeze %dma_start3A_178 : memref<1x100x128xf32, #tpu.memory_space<vmem>> -> memref<100x128xf32, #tpu.memory_space<vmem>>
    %dma_start3A_180 = arith.constant 50 : i32
    %dma_start3A_181 = arith.constant 0 : i32
    %dma_start3A_182 = tpu.memref_slice %dma_start3A_179[%dma_start3A_180, %dma_start3A_181] : memref<100x128xf32, #tpu.memory_space<vmem>> -> memref<50x128xf32, #tpu.memory_space<vmem>>
    tpu.enqueue_dma source(%dma_start3A_182 : memref<50x128xf32, #tpu.memory_space<vmem>>) target(%dma_start3A_175 : memref<50x128xf32, #tpu.memory_space<hbm>>) target_semaphore(%arg12 : memref<!tpu.dma_semaphore, #tpu.memory_space<semaphore_mem>>)
    %dma_wait3A_183 = arith.constant 254 : i32
    %dma_wait3A_184 = arith.constant 2 : i32
    %dma_wait3A_185 = arith.constant 0 : i32
    %dma_wait3A_186 = arith.constant 0 : i32
    %dma_wait3A_187 = tpu.memref_slice %arg6[%dma_wait3A_184, %dma_wait3A_185, %dma_wait3A_186] : memref<4x100x128xf32, #tpu.memory_space<vmem>> -> memref<1x100x128xf32, #tpu.memory_space<vmem>>
    %dma_wait3A_188 = tpu.memref_squeeze %dma_wait3A_187 : memref<1x100x128xf32, #tpu.memory_space<vmem>> -> memref<100x128xf32, #tpu.memory_space<vmem>>
    %dma_wait3A_189 = arith.constant 0 : i32
    %dma_wait3A_190 = tpu.memref_slice %arg5[%dma_wait3A_183, %dma_wait3A_189] : memref<256x100xi32, #tpu.memory_space<vmem>> -> memref<1x100xi32, #tpu.memory_space<vmem>>
    %dma_wait3A_191 = tpu.memref_squeeze %dma_wait3A_190 : memref<1x100xi32, #tpu.memory_space<vmem>> -> memref<100xi32, #tpu.memory_space<vmem>>
    %dma_wait3A_192 = arith.constant 0 : i32
    %dma_wait3A_193 = arith.constant 0 : i32
    %dma_wait3A_194 = tpu.memref_slice %arg3[%dma_wait3A_192, %dma_wait3A_193] : memref<100000x128xf32, #tpu.memory_space<hbm>> -> memref<100000x128xf32, #tpu.memory_space<hbm>>
    tpu.wait_indirect_dma semaphore(%arg9 : memref<!tpu.dma_semaphore, #tpu.memory_space<semaphore_mem>>) src(%dma_wait3A_194 : memref<100000x128xf32, #tpu.memory_space<hbm>>) dst(%dma_wait3A_188 : memref<100x128xf32, #tpu.memory_space<vmem>>)
    %add3A_195 = arith.constant 508 : i32
    %add3A_196 = arith.addi %mul3A_4, %add3A_195 : i32
    %add3A_197 = arith.constant 0 : i32
    %add3A_198 = arith.addi %add3A_196, %add3A_197 : i32
    %dma_start3A_199 = arith.constant 2 : i32
    %dma_start3A_200 = arith.constant 0 : i32
    %dma_start3A_201 = arith.constant 0 : i32
    %dma_start3A_202 = tpu.memref_slice %arg6[%dma_start3A_199, %dma_start3A_200, %dma_start3A_201] : memref<4x100x128xf32, #tpu.memory_space<vmem>> -> memref<1x100x128xf32, #tpu.memory_space<vmem>>
    %dma_start3A_203 = tpu.memref_squeeze %dma_start3A_202 : memref<1x100x128xf32, #tpu.memory_space<vmem>> -> memref<100x128xf32, #tpu.memory_space<vmem>>
    %dma_start3A_204 = arith.constant 0 : i32
    %dma_start3A_205 = arith.constant 0 : i32
    %dma_start3A_206 = tpu.memref_slice %dma_start3A_203[%dma_start3A_204, %dma_start3A_205] : memref<100x128xf32, #tpu.memory_space<vmem>> -> memref<50x128xf32, #tpu.memory_space<vmem>>
    %dma_start3A_207 = arith.constant 0 : i32
    %dma_start3A_208 = arith.constant 0 : i32
    %dma_start3A_209 = tpu.memref_slice %arg4[%add3A_198, %dma_start3A_207, %dma_start3A_208] : memref<16384x50x128xf32, #tpu.memory_space<hbm>> -> memref<1x50x128xf32, #tpu.memory_space<hbm>>
    %dma_start3A_210 = tpu.memref_squeeze %dma_start3A_209 : memref<1x50x128xf32, #tpu.memory_space<hbm>> -> memref<50x128xf32, #tpu.memory_space<hbm>>
    %dma_start3A_211 = arith.constant 0 : i32
    %dma_start3A_212 = arith.constant 0 : i32
    %dma_start3A_213 = tpu.memref_slice %arg4[%add3A_198, %dma_start3A_211, %dma_start3A_212] : memref<16384x50x128xf32, #tpu.memory_space<hbm>> -> memref<1x50x128xf32, #tpu.memory_space<hbm>>
    %dma_start3A_214 = tpu.memref_squeeze %dma_start3A_213 : memref<1x50x128xf32, #tpu.memory_space<hbm>> -> memref<50x128xf32, #tpu.memory_space<hbm>>
    %dma_start3A_215 = arith.constant 0 : i32
    %dma_start3A_216 = arith.constant 0 : i32
    %dma_start3A_217 = tpu.memref_slice %arg6[%dma_start3A_199, %dma_start3A_215, %dma_start3A_216] : memref<4x100x128xf32, #tpu.memory_space<vmem>> -> memref<1x100x128xf32, #tpu.memory_space<vmem>>
    %dma_start3A_218 = tpu.memref_squeeze %dma_start3A_217 : memref<1x100x128xf32, #tpu.memory_space<vmem>> -> memref<100x128xf32, #tpu.memory_space<vmem>>
    %dma_start3A_219 = arith.constant 0 : i32
    %dma_start3A_220 = arith.constant 0 : i32
    %dma_start3A_221 = tpu.memref_slice %dma_start3A_218[%dma_start3A_219, %dma_start3A_220] : memref<100x128xf32, #tpu.memory_space<vmem>> -> memref<50x128xf32, #tpu.memory_space<vmem>>
    tpu.enqueue_dma source(%dma_start3A_221 : memref<50x128xf32, #tpu.memory_space<vmem>>) target(%dma_start3A_214 : memref<50x128xf32, #tpu.memory_space<hbm>>) target_semaphore(%arg13 : memref<!tpu.dma_semaphore, #tpu.memory_space<semaphore_mem>>)
    %add3A_222 = arith.constant 1 : i32
    %add3A_223 = arith.addi %add3A_196, %add3A_222 : i32
    %dma_start3A_224 = arith.constant 2 : i32
    %dma_start3A_225 = arith.constant 0 : i32
    %dma_start3A_226 = arith.constant 0 : i32
    %dma_start3A_227 = tpu.memref_slice %arg6[%dma_start3A_224, %dma_start3A_225, %dma_start3A_226] : memref<4x100x128xf32, #tpu.memory_space<vmem>> -> memref<1x100x128xf32, #tpu.memory_space<vmem>>
    %dma_start3A_228 = tpu.memref_squeeze %dma_start3A_227 : memref<1x100x128xf32, #tpu.memory_space<vmem>> -> memref<100x128xf32, #tpu.memory_space<vmem>>
    %dma_start3A_229 = arith.constant 50 : i32
    %dma_start3A_230 = arith.constant 0 : i32
    %dma_start3A_231 = tpu.memref_slice %dma_start3A_228[%dma_start3A_229, %dma_start3A_230] : memref<100x128xf32, #tpu.memory_space<vmem>> -> memref<50x128xf32, #tpu.memory_space<vmem>>
    %dma_start3A_232 = arith.constant 0 : i32
    %dma_start3A_233 = arith.constant 0 : i32
    %dma_start3A_234 = tpu.memref_slice %arg4[%add3A_223, %dma_start3A_232, %dma_start3A_233] : memref<16384x50x128xf32, #tpu.memory_space<hbm>> -> memref<1x50x128xf32, #tpu.memory_space<hbm>>
    %dma_start3A_235 = tpu.memref_squeeze %dma_start3A_234 : memref<1x50x128xf32, #tpu.memory_space<hbm>> -> memref<50x128xf32, #tpu.memory_space<hbm>>
    %dma_start3A_236 = arith.constant 0 : i32
    %dma_start3A_237 = arith.constant 0 : i32
    %dma_start3A_238 = tpu.memref_slice %arg4[%add3A_223, %dma_start3A_236, %dma_start3A_237] : memref<16384x50x128xf32, #tpu.memory_space<hbm>> -> memref<1x50x128xf32, #tpu.memory_space<hbm>>
    %dma_start3A_239 = tpu.memref_squeeze %dma_start3A_238 : memref<1x50x128xf32, #tpu.memory_space<hbm>> -> memref<50x128xf32, #tpu.memory_space<hbm>>
    %dma_start3A_240 = arith.constant 0 : i32
    %dma_start3A_241 = arith.constant 0 : i32
    %dma_start3A_242 = tpu.memref_slice %arg6[%dma_start3A_224, %dma_start3A_240, %dma_start3A_241] : memref<4x100x128xf32, #tpu.memory_space<vmem>> -> memref<1x100x128xf32, #tpu.memory_space<vmem>>
    %dma_start3A_243 = tpu.memref_squeeze %dma_start3A_242 : memref<1x100x128xf32, #tpu.memory_space<vmem>> -> memref<100x128xf32, #tpu.memory_space<vmem>>
    %dma_start3A_244 = arith.constant 50 : i32
    %dma_start3A_245 = arith.constant 0 : i32
    %dma_start3A_246 = tpu.memref_slice %dma_start3A_243[%dma_start3A_244, %dma_start3A_245] : memref<100x128xf32, #tpu.memory_space<vmem>> -> memref<50x128xf32, #tpu.memory_space<vmem>>
    tpu.enqueue_dma source(%dma_start3A_246 : memref<50x128xf32, #tpu.memory_space<vmem>>) target(%dma_start3A_239 : memref<50x128xf32, #tpu.memory_space<hbm>>) target_semaphore(%arg13 : memref<!tpu.dma_semaphore, #tpu.memory_space<semaphore_mem>>)
    %dma_wait3A_247 = arith.constant 255 : i32
    %dma_wait3A_248 = arith.constant 3 : i32
    %dma_wait3A_249 = arith.constant 0 : i32
    %dma_wait3A_250 = arith.constant 0 : i32
    %dma_wait3A_251 = tpu.memref_slice %arg6[%dma_wait3A_248, %dma_wait3A_249, %dma_wait3A_250] : memref<4x100x128xf32, #tpu.memory_space<vmem>> -> memref<1x100x128xf32, #tpu.memory_space<vmem>>
    %dma_wait3A_252 = tpu.memref_squeeze %dma_wait3A_251 : memref<1x100x128xf32, #tpu.memory_space<vmem>> -> memref<100x128xf32, #tpu.memory_space<vmem>>
    %dma_wait3A_253 = arith.constant 0 : i32
    %dma_wait3A_254 = tpu.memref_slice %arg5[%dma_wait3A_247, %dma_wait3A_253] : memref<256x100xi32, #tpu.memory_space<vmem>> -> memref<1x100xi32, #tpu.memory_space<vmem>>
    %dma_wait3A_255 = tpu.memref_squeeze %dma_wait3A_254 : memref<1x100xi32, #tpu.memory_space<vmem>> -> memref<100xi32, #tpu.memory_space<vmem>>
    %dma_wait3A_256 = arith.constant 0 : i32
    %dma_wait3A_257 = arith.constant 0 : i32
    %dma_wait3A_258 = tpu.memref_slice %arg3[%dma_wait3A_256, %dma_wait3A_257] : memref<100000x128xf32, #tpu.memory_space<hbm>> -> memref<100000x128xf32, #tpu.memory_space<hbm>>
    tpu.wait_indirect_dma semaphore(%arg10 : memref<!tpu.dma_semaphore, #tpu.memory_space<semaphore_mem>>) src(%dma_wait3A_258 : memref<100000x128xf32, #tpu.memory_space<hbm>>) dst(%dma_wait3A_252 : memref<100x128xf32, #tpu.memory_space<vmem>>)
    %add3A_259 = arith.constant 510 : i32
    %add3A_260 = arith.addi %mul3A_4, %add3A_259 : i32
    %add3A_261 = arith.constant 0 : i32
    %add3A_262 = arith.addi %add3A_260, %add3A_261 : i32
    %dma_start3A_263 = arith.constant 3 : i32
    %dma_start3A_264 = arith.constant 0 : i32
    %dma_start3A_265 = arith.constant 0 : i32
    %dma_start3A_266 = tpu.memref_slice %arg6[%dma_start3A_263, %dma_start3A_264, %dma_start3A_265] : memref<4x100x128xf32, #tpu.memory_space<vmem>> -> memref<1x100x128xf32, #tpu.memory_space<vmem>>
    %dma_start3A_267 = tpu.memref_squeeze %dma_start3A_266 : memref<1x100x128xf32, #tpu.memory_space<vmem>> -> memref<100x128xf32, #tpu.memory_space<vmem>>
    %dma_start3A_268 = arith.constant 0 : i32
    %dma_start3A_269 = arith.constant 0 : i32
    %dma_start3A_270 = tpu.memref_slice %dma_start3A_267[%dma_start3A_268, %dma_start3A_269] : memref<100x128xf32, #tpu.memory_space<vmem>> -> memref<50x128xf32, #tpu.memory_space<vmem>>
    %dma_start3A_271 = arith.constant 0 : i32
    %dma_start3A_272 = arith.constant 0 : i32
    %dma_start3A_273 = tpu.memref_slice %arg4[%add3A_262, %dma_start3A_271, %dma_start3A_272] : memref<16384x50x128xf32, #tpu.memory_space<hbm>> -> memref<1x50x128xf32, #tpu.memory_space<hbm>>
    %dma_start3A_274 = tpu.memref_squeeze %dma_start3A_273 : memref<1x50x128xf32, #tpu.memory_space<hbm>> -> memref<50x128xf32, #tpu.memory_space<hbm>>
    %dma_start3A_275 = arith.constant 0 : i32
    %dma_start3A_276 = arith.constant 0 : i32
    %dma_start3A_277 = tpu.memref_slice %arg4[%add3A_262, %dma_start3A_275, %dma_start3A_276] : memref<16384x50x128xf32, #tpu.memory_space<hbm>> -> memref<1x50x128xf32, #tpu.memory_space<hbm>>
    %dma_start3A_278 = tpu.memref_squeeze %dma_start3A_277 : memref<1x50x128xf32, #tpu.memory_space<hbm>> -> memref<50x128xf32, #tpu.memory_space<hbm>>
    %dma_start3A_279 = arith.constant 0 : i32
    %dma_start3A_280 = arith.constant 0 : i32
    %dma_start3A_281 = tpu.memref_slice %arg6[%dma_start3A_263, %dma_start3A_279, %dma_start3A_280] : memref<4x100x128xf32, #tpu.memory_space<vmem>> -> memref<1x100x128xf32, #tpu.memory_space<vmem>>
    %dma_start3A_282 = tpu.memref_squeeze %dma_start3A_281 : memref<1x100x128xf32, #tpu.memory_space<vmem>> -> memref<100x128xf32, #tpu.memory_space<vmem>>
    %dma_start3A_283 = arith.constant 0 : i32
    %dma_start3A_284 = arith.constant 0 : i32
    %dma_start3A_285 = tpu.memref_slice %dma_start3A_282[%dma_start3A_283, %dma_start3A_284] : memref<100x128xf32, #tpu.memory_space<vmem>> -> memref<50x128xf32, #tpu.memory_space<vmem>>
    tpu.enqueue_dma source(%dma_start3A_285 : memref<50x128xf32, #tpu.memory_space<vmem>>) target(%dma_start3A_278 : memref<50x128xf32, #tpu.memory_space<hbm>>) target_semaphore(%arg14 : memref<!tpu.dma_semaphore, #tpu.memory_space<semaphore_mem>>)
    %add3A_286 = arith.constant 1 : i32
    %add3A_287 = arith.addi %add3A_260, %add3A_286 : i32
    %dma_start3A_288 = arith.constant 3 : i32
    %dma_start3A_289 = arith.constant 0 : i32
    %dma_start3A_290 = arith.constant 0 : i32
    %dma_start3A_291 = tpu.memref_slice %arg6[%dma_start3A_288, %dma_start3A_289, %dma_start3A_290] : memref<4x100x128xf32, #tpu.memory_space<vmem>> -> memref<1x100x128xf32, #tpu.memory_space<vmem>>
    %dma_start3A_292 = tpu.memref_squeeze %dma_start3A_291 : memref<1x100x128xf32, #tpu.memory_space<vmem>> -> memref<100x128xf32, #tpu.memory_space<vmem>>
    %dma_start3A_293 = arith.constant 50 : i32
    %dma_start3A_294 = arith.constant 0 : i32
    %dma_start3A_295 = tpu.memref_slice %dma_start3A_292[%dma_start3A_293, %dma_start3A_294] : memref<100x128xf32, #tpu.memory_space<vmem>> -> memref<50x128xf32, #tpu.memory_space<vmem>>
    %dma_start3A_296 = arith.constant 0 : i32
    %dma_start3A_297 = arith.constant 0 : i32
    %dma_start3A_298 = tpu.memref_slice %arg4[%add3A_287, %dma_start3A_296, %dma_start3A_297] : memref<16384x50x128xf32, #tpu.memory_space<hbm>> -> memref<1x50x128xf32, #tpu.memory_space<hbm>>
    %dma_start3A_299 = tpu.memref_squeeze %dma_start3A_298 : memref<1x50x128xf32, #tpu.memory_space<hbm>> -> memref<50x128xf32, #tpu.memory_space<hbm>>
    %dma_start3A_300 = arith.constant 0 : i32
    %dma_start3A_301 = arith.constant 0 : i32
    %dma_start3A_302 = tpu.memref_slice %arg4[%add3A_287, %dma_start3A_300, %dma_start3A_301] : memref<16384x50x128xf32, #tpu.memory_space<hbm>> -> memref<1x50x128xf32, #tpu.memory_space<hbm>>
    %dma_start3A_303 = tpu.memref_squeeze %dma_start3A_302 : memref<1x50x128xf32, #tpu.memory_space<hbm>> -> memref<50x128xf32, #tpu.memory_space<hbm>>
    %dma_start3A_304 = arith.constant 0 : i32
    %dma_start3A_305 = arith.constant 0 : i32
    %dma_start3A_306 = tpu.memref_slice %arg6[%dma_start3A_288, %dma_start3A_304, %dma_start3A_305] : memref<4x100x128xf32, #tpu.memory_space<vmem>> -> memref<1x100x128xf32, #tpu.memory_space<vmem>>
    %dma_start3A_307 = tpu.memref_squeeze %dma_start3A_306 : memref<1x100x128xf32, #tpu.memory_space<vmem>> -> memref<100x128xf32, #tpu.memory_space<vmem>>
    %dma_start3A_308 = arith.constant 50 : i32
    %dma_start3A_309 = arith.constant 0 : i32
    %dma_start3A_310 = tpu.memref_slice %dma_start3A_307[%dma_start3A_308, %dma_start3A_309] : memref<100x128xf32, #tpu.memory_space<vmem>> -> memref<50x128xf32, #tpu.memory_space<vmem>>
    tpu.enqueue_dma source(%dma_start3A_310 : memref<50x128xf32, #tpu.memory_space<vmem>>) target(%dma_start3A_303 : memref<50x128xf32, #tpu.memory_space<hbm>>) target_semaphore(%arg14 : memref<!tpu.dma_semaphore, #tpu.memory_space<semaphore_mem>>)
    %add3A_311 = arith.constant 504 : i32
    %add3A_312 = arith.addi %mul3A_4, %add3A_311 : i32
    %add3A_313 = arith.constant 0 : i32
    %add3A_314 = arith.addi %add3A_312, %add3A_313 : i32
    %dma_wait3A_315 = arith.constant 0 : i32
    %dma_wait3A_316 = arith.constant 0 : i32
    %dma_wait3A_317 = arith.constant 0 : i32
    %dma_wait3A_318 = tpu.memref_slice %arg6[%dma_wait3A_315, %dma_wait3A_316, %dma_wait3A_317] : memref<4x100x128xf32, #tpu.memory_space<vmem>> -> memref<1x100x128xf32, #tpu.memory_space<vmem>>
    %dma_wait3A_319 = tpu.memref_squeeze %dma_wait3A_318 : memref<1x100x128xf32, #tpu.memory_space<vmem>> -> memref<100x128xf32, #tpu.memory_space<vmem>>
    %dma_wait3A_320 = arith.constant 0 : i32
    %dma_wait3A_321 = arith.constant 0 : i32
    %dma_wait3A_322 = tpu.memref_slice %dma_wait3A_319[%dma_wait3A_320, %dma_wait3A_321] : memref<100x128xf32, #tpu.memory_space<vmem>> -> memref<50x128xf32, #tpu.memory_space<vmem>>
    %dma_wait3A_323 = arith.constant 0 : i32
    %dma_wait3A_324 = arith.constant 0 : i32
    %dma_wait3A_325 = tpu.memref_slice %arg4[%add3A_314, %dma_wait3A_323, %dma_wait3A_324] : memref<16384x50x128xf32, #tpu.memory_space<hbm>> -> memref<1x50x128xf32, #tpu.memory_space<hbm>>
    %dma_wait3A_326 = tpu.memref_squeeze %dma_wait3A_325 : memref<1x50x128xf32, #tpu.memory_space<hbm>> -> memref<50x128xf32, #tpu.memory_space<hbm>>
    %dma_wait3A_327 = arith.constant 0 : i32
    %dma_wait3A_328 = arith.constant 0 : i32
    %dma_wait3A_329 = tpu.memref_slice %arg4[%add3A_314, %dma_wait3A_327, %dma_wait3A_328] : memref<16384x50x128xf32, #tpu.memory_space<hbm>> -> memref<1x50x128xf32, #tpu.memory_space<hbm>>
    %dma_wait3A_330 = tpu.memref_squeeze %dma_wait3A_329 : memref<1x50x128xf32, #tpu.memory_space<hbm>> -> memref<50x128xf32, #tpu.memory_space<hbm>>
    %dma_wait3A_331 = arith.constant 0 : i32
    %dma_wait3A_332 = arith.constant 0 : i32
    %dma_wait3A_333 = tpu.memref_slice %arg6[%dma_wait3A_315, %dma_wait3A_331, %dma_wait3A_332] : memref<4x100x128xf32, #tpu.memory_space<vmem>> -> memref<1x100x128xf32, #tpu.memory_space<vmem>>
    %dma_wait3A_334 = tpu.memref_squeeze %dma_wait3A_333 : memref<1x100x128xf32, #tpu.memory_space<vmem>> -> memref<100x128xf32, #tpu.memory_space<vmem>>
    %dma_wait3A_335 = arith.constant 0 : i32
    %dma_wait3A_336 = arith.constant 0 : i32
    %dma_wait3A_337 = tpu.memref_slice %dma_wait3A_334[%dma_wait3A_335, %dma_wait3A_336] : memref<100x128xf32, #tpu.memory_space<vmem>> -> memref<50x128xf32, #tpu.memory_space<vmem>>
    tpu.wait_dma2 semaphore(%arg11 : memref<!tpu.dma_semaphore, #tpu.memory_space<semaphore_mem>>) src(%dma_wait3A_337 : memref<50x128xf32, #tpu.memory_space<vmem>>) dst(%dma_wait3A_330 : memref<50x128xf32, #tpu.memory_space<hbm>>)
    %add3A_338 = arith.constant 1 : i32
    %add3A_339 = arith.addi %add3A_312, %add3A_338 : i32
    %dma_wait3A_340 = arith.constant 0 : i32
    %dma_wait3A_341 = arith.constant 0 : i32
    %dma_wait3A_342 = arith.constant 0 : i32
    %dma_wait3A_343 = tpu.memref_slice %arg6[%dma_wait3A_340, %dma_wait3A_341, %dma_wait3A_342] : memref<4x100x128xf32, #tpu.memory_space<vmem>> -> memref<1x100x128xf32, #tpu.memory_space<vmem>>
    %dma_wait3A_344 = tpu.memref_squeeze %dma_wait3A_343 : memref<1x100x128xf32, #tpu.memory_space<vmem>> -> memref<100x128xf32, #tpu.memory_space<vmem>>
    %dma_wait3A_345 = arith.constant 50 : i32
    %dma_wait3A_346 = arith.constant 0 : i32
    %dma_wait3A_347 = tpu.memref_slice %dma_wait3A_344[%dma_wait3A_345, %dma_wait3A_346] : memref<100x128xf32, #tpu.memory_space<vmem>> -> memref<50x128xf32, #tpu.memory_space<vmem>>
    %dma_wait3A_348 = arith.constant 0 : i32
    %dma_wait3A_349 = arith.constant 0 : i32
    %dma_wait3A_350 = tpu.memref_slice %arg4[%add3A_339, %dma_wait3A_348, %dma_wait3A_349] : memref<16384x50x128xf32, #tpu.memory_space<hbm>> -> memref<1x50x128xf32, #tpu.memory_space<hbm>>
    %dma_wait3A_351 = tpu.memref_squeeze %dma_wait3A_350 : memref<1x50x128xf32, #tpu.memory_space<hbm>> -> memref<50x128xf32, #tpu.memory_space<hbm>>
    %dma_wait3A_352 = arith.constant 0 : i32
    %dma_wait3A_353 = arith.constant 0 : i32
    %dma_wait3A_354 = tpu.memref_slice %arg4[%add3A_339, %dma_wait3A_352, %dma_wait3A_353] : memref<16384x50x128xf32, #tpu.memory_space<hbm>> -> memref<1x50x128xf32, #tpu.memory_space<hbm>>
    %dma_wait3A_355 = tpu.memref_squeeze %dma_wait3A_354 : memref<1x50x128xf32, #tpu.memory_space<hbm>> -> memref<50x128xf32, #tpu.memory_space<hbm>>
    %dma_wait3A_356 = arith.constant 0 : i32
    %dma_wait3A_357 = arith.constant 0 : i32
    %dma_wait3A_358 = tpu.memref_slice %arg6[%dma_wait3A_340, %dma_wait3A_356, %dma_wait3A_357] : memref<4x100x128xf32, #tpu.memory_space<vmem>> -> memref<1x100x128xf32, #tpu.memory_space<vmem>>
    %dma_wait3A_359 = tpu.memref_squeeze %dma_wait3A_358 : memref<1x100x128xf32, #tpu.memory_space<vmem>> -> memref<100x128xf32, #tpu.memory_space<vmem>>
    %dma_wait3A_360 = arith.constant 50 : i32
    %dma_wait3A_361 = arith.constant 0 : i32
    %dma_wait3A_362 = tpu.memref_slice %dma_wait3A_359[%dma_wait3A_360, %dma_wait3A_361] : memref<100x128xf32, #tpu.memory_space<vmem>> -> memref<50x128xf32, #tpu.memory_space<vmem>>
    tpu.wait_dma2 semaphore(%arg11 : memref<!tpu.dma_semaphore, #tpu.memory_space<semaphore_mem>>) src(%dma_wait3A_362 : memref<50x128xf32, #tpu.memory_space<vmem>>) dst(%dma_wait3A_355 : memref<50x128xf32, #tpu.memory_space<hbm>>)
    %add3A_363 = arith.constant 506 : i32
    %add3A_364 = arith.addi %mul3A_4, %add3A_363 : i32
    %add3A_365 = arith.constant 0 : i32
    %add3A_366 = arith.addi %add3A_364, %add3A_365 : i32
    %dma_wait3A_367 = arith.constant 1 : i32
    %dma_wait3A_368 = arith.constant 0 : i32
    %dma_wait3A_369 = arith.constant 0 : i32
    %dma_wait3A_370 = tpu.memref_slice %arg6[%dma_wait3A_367, %dma_wait3A_368, %dma_wait3A_369] : memref<4x100x128xf32, #tpu.memory_space<vmem>> -> memref<1x100x128xf32, #tpu.memory_space<vmem>>
    %dma_wait3A_371 = tpu.memref_squeeze %dma_wait3A_370 : memref<1x100x128xf32, #tpu.memory_space<vmem>> -> memref<100x128xf32, #tpu.memory_space<vmem>>
    %dma_wait3A_372 = arith.constant 0 : i32
    %dma_wait3A_373 = arith.constant 0 : i32
    %dma_wait3A_374 = tpu.memref_slice %dma_wait3A_371[%dma_wait3A_372, %dma_wait3A_373] : memref<100x128xf32, #tpu.memory_space<vmem>> -> memref<50x128xf32, #tpu.memory_space<vmem>>
    %dma_wait3A_375 = arith.constant 0 : i32
    %dma_wait3A_376 = arith.constant 0 : i32
    %dma_wait3A_377 = tpu.memref_slice %arg4[%add3A_366, %dma_wait3A_375, %dma_wait3A_376] : memref<16384x50x128xf32, #tpu.memory_space<hbm>> -> memref<1x50x128xf32, #tpu.memory_space<hbm>>
    %dma_wait3A_378 = tpu.memref_squeeze %dma_wait3A_377 : memref<1x50x128xf32, #tpu.memory_space<hbm>> -> memref<50x128xf32, #tpu.memory_space<hbm>>
    %dma_wait3A_379 = arith.constant 0 : i32
    %dma_wait3A_380 = arith.constant 0 : i32
    %dma_wait3A_381 = tpu.memref_slice %arg4[%add3A_366, %dma_wait3A_379, %dma_wait3A_380] : memref<16384x50x128xf32, #tpu.memory_space<hbm>> -> memref<1x50x128xf32, #tpu.memory_space<hbm>>
    %dma_wait3A_382 = tpu.memref_squeeze %dma_wait3A_381 : memref<1x50x128xf32, #tpu.memory_space<hbm>> -> memref<50x128xf32, #tpu.memory_space<hbm>>
    %dma_wait3A_383 = arith.constant 0 : i32
    %dma_wait3A_384 = arith.constant 0 : i32
    %dma_wait3A_385 = tpu.memref_slice %arg6[%dma_wait3A_367, %dma_wait3A_383, %dma_wait3A_384] : memref<4x100x128xf32, #tpu.memory_space<vmem>> -> memref<1x100x128xf32, #tpu.memory_space<vmem>>
    %dma_wait3A_386 = tpu.memref_squeeze %dma_wait3A_385 : memref<1x100x128xf32, #tpu.memory_space<vmem>> -> memref<100x128xf32, #tpu.memory_space<vmem>>
    %dma_wait3A_387 = arith.constant 0 : i32
    %dma_wait3A_388 = arith.constant 0 : i32
    %dma_wait3A_389 = tpu.memref_slice %dma_wait3A_386[%dma_wait3A_387, %dma_wait3A_388] : memref<100x128xf32, #tpu.memory_space<vmem>> -> memref<50x128xf32, #tpu.memory_space<vmem>>
    tpu.wait_dma2 semaphore(%arg12 : memref<!tpu.dma_semaphore, #tpu.memory_space<semaphore_mem>>) src(%dma_wait3A_389 : memref<50x128xf32, #tpu.memory_space<vmem>>) dst(%dma_wait3A_382 : memref<50x128xf32, #tpu.memory_space<hbm>>)
    %add3A_390 = arith.constant 1 : i32
    %add3A_391 = arith.addi %add3A_364, %add3A_390 : i32
    %dma_wait3A_392 = arith.constant 1 : i32
    %dma_wait3A_393 = arith.constant 0 : i32
    %dma_wait3A_394 = arith.constant 0 : i32
    %dma_wait3A_395 = tpu.memref_slice %arg6[%dma_wait3A_392, %dma_wait3A_393, %dma_wait3A_394] : memref<4x100x128xf32, #tpu.memory_space<vmem>> -> memref<1x100x128xf32, #tpu.memory_space<vmem>>
    %dma_wait3A_396 = tpu.memref_squeeze %dma_wait3A_395 : memref<1x100x128xf32, #tpu.memory_space<vmem>> -> memref<100x128xf32, #tpu.memory_space<vmem>>
    %dma_wait3A_397 = arith.constant 50 : i32
    %dma_wait3A_398 = arith.constant 0 : i32
    %dma_wait3A_399 = tpu.memref_slice %dma_wait3A_396[%dma_wait3A_397, %dma_wait3A_398] : memref<100x128xf32, #tpu.memory_space<vmem>> -> memref<50x128xf32, #tpu.memory_space<vmem>>
    %dma_wait3A_400 = arith.constant 0 : i32
    %dma_wait3A_401 = arith.constant 0 : i32
    %dma_wait3A_402 = tpu.memref_slice %arg4[%add3A_391, %dma_wait3A_400, %dma_wait3A_401] : memref<16384x50x128xf32, #tpu.memory_space<hbm>> -> memref<1x50x128xf32, #tpu.memory_space<hbm>>
    %dma_wait3A_403 = tpu.memref_squeeze %dma_wait3A_402 : memref<1x50x128xf32, #tpu.memory_space<hbm>> -> memref<50x128xf32, #tpu.memory_space<hbm>>
    %dma_wait3A_404 = arith.constant 0 : i32
    %dma_wait3A_405 = arith.constant 0 : i32
    %dma_wait3A_406 = tpu.memref_slice %arg4[%add3A_391, %dma_wait3A_404, %dma_wait3A_405] : memref<16384x50x128xf32, #tpu.memory_space<hbm>> -> memref<1x50x128xf32, #tpu.memory_space<hbm>>
    %dma_wait3A_407 = tpu.memref_squeeze %dma_wait3A_406 : memref<1x50x128xf32, #tpu.memory_space<hbm>> -> memref<50x128xf32, #tpu.memory_space<hbm>>
    %dma_wait3A_408 = arith.constant 0 : i32
    %dma_wait3A_409 = arith.constant 0 : i32
    %dma_wait3A_410 = tpu.memref_slice %arg6[%dma_wait3A_392, %dma_wait3A_408, %dma_wait3A_409] : memref<4x100x128xf32, #tpu.memory_space<vmem>> -> memref<1x100x128xf32, #tpu.memory_space<vmem>>
    %dma_wait3A_411 = tpu.memref_squeeze %dma_wait3A_410 : memref<1x100x128xf32, #tpu.memory_space<vmem>> -> memref<100x128xf32, #tpu.memory_space<vmem>>
    %dma_wait3A_412 = arith.constant 50 : i32
    %dma_wait3A_413 = arith.constant 0 : i32
    %dma_wait3A_414 = tpu.memref_slice %dma_wait3A_411[%dma_wait3A_412, %dma_wait3A_413] : memref<100x128xf32, #tpu.memory_space<vmem>> -> memref<50x128xf32, #tpu.memory_space<vmem>>
    tpu.wait_dma2 semaphore(%arg12 : memref<!tpu.dma_semaphore, #tpu.memory_space<semaphore_mem>>) src(%dma_wait3A_414 : memref<50x128xf32, #tpu.memory_space<vmem>>) dst(%dma_wait3A_407 : memref<50x128xf32, #tpu.memory_space<hbm>>)
    %add3A_415 = arith.constant 508 : i32
    %add3A_416 = arith.addi %mul3A_4, %add3A_415 : i32
    %add3A_417 = arith.constant 0 : i32
    %add3A_418 = arith.addi %add3A_416, %add3A_417 : i32
    %dma_wait3A_419 = arith.constant 2 : i32
    %dma_wait3A_420 = arith.constant 0 : i32
    %dma_wait3A_421 = arith.constant 0 : i32
    %dma_wait3A_422 = tpu.memref_slice %arg6[%dma_wait3A_419, %dma_wait3A_420, %dma_wait3A_421] : memref<4x100x128xf32, #tpu.memory_space<vmem>> -> memref<1x100x128xf32, #tpu.memory_space<vmem>>
    %dma_wait3A_423 = tpu.memref_squeeze %dma_wait3A_422 : memref<1x100x128xf32, #tpu.memory_space<vmem>> -> memref<100x128xf32, #tpu.memory_space<vmem>>
    %dma_wait3A_424 = arith.constant 0 : i32
    %dma_wait3A_425 = arith.constant 0 : i32
    %dma_wait3A_426 = tpu.memref_slice %dma_wait3A_423[%dma_wait3A_424, %dma_wait3A_425] : memref<100x128xf32, #tpu.memory_space<vmem>> -> memref<50x128xf32, #tpu.memory_space<vmem>>
    %dma_wait3A_427 = arith.constant 0 : i32
    %dma_wait3A_428 = arith.constant 0 : i32
    %dma_wait3A_429 = tpu.memref_slice %arg4[%add3A_418, %dma_wait3A_427, %dma_wait3A_428] : memref<16384x50x128xf32, #tpu.memory_space<hbm>> -> memref<1x50x128xf32, #tpu.memory_space<hbm>>
    %dma_wait3A_430 = tpu.memref_squeeze %dma_wait3A_429 : memref<1x50x128xf32, #tpu.memory_space<hbm>> -> memref<50x128xf32, #tpu.memory_space<hbm>>
    %dma_wait3A_431 = arith.constant 0 : i32
    %dma_wait3A_432 = arith.constant 0 : i32
    %dma_wait3A_433 = tpu.memref_slice %arg4[%add3A_418, %dma_wait3A_431, %dma_wait3A_432] : memref<16384x50x128xf32, #tpu.memory_space<hbm>> -> memref<1x50x128xf32, #tpu.memory_space<hbm>>
    %dma_wait3A_434 = tpu.memref_squeeze %dma_wait3A_433 : memref<1x50x128xf32, #tpu.memory_space<hbm>> -> memref<50x128xf32, #tpu.memory_space<hbm>>
    %dma_wait3A_435 = arith.constant 0 : i32
    %dma_wait3A_436 = arith.constant 0 : i32
    %dma_wait3A_437 = tpu.memref_slice %arg6[%dma_wait3A_419, %dma_wait3A_435, %dma_wait3A_436] : memref<4x100x128xf32, #tpu.memory_space<vmem>> -> memref<1x100x128xf32, #tpu.memory_space<vmem>>
    %dma_wait3A_438 = tpu.memref_squeeze %dma_wait3A_437 : memref<1x100x128xf32, #tpu.memory_space<vmem>> -> memref<100x128xf32, #tpu.memory_space<vmem>>
    %dma_wait3A_439 = arith.constant 0 : i32
    %dma_wait3A_440 = arith.constant 0 : i32
    %dma_wait3A_441 = tpu.memref_slice %dma_wait3A_438[%dma_wait3A_439, %dma_wait3A_440] : memref<100x128xf32, #tpu.memory_space<vmem>> -> memref<50x128xf32, #tpu.memory_space<vmem>>
    tpu.wait_dma2 semaphore(%arg13 : memref<!tpu.dma_semaphore, #tpu.memory_space<semaphore_mem>>) src(%dma_wait3A_441 : memref<50x128xf32, #tpu.memory_space<vmem>>) dst(%dma_wait3A_434 : memref<50x128xf32, #tpu.memory_space<hbm>>)
    %add3A_442 = arith.constant 1 : i32
    %add3A_443 = arith.addi %add3A_416, %add3A_442 : i32
    %dma_wait3A_444 = arith.constant 2 : i32
    %dma_wait3A_445 = arith.constant 0 : i32
    %dma_wait3A_446 = arith.constant 0 : i32
    %dma_wait3A_447 = tpu.memref_slice %arg6[%dma_wait3A_444, %dma_wait3A_445, %dma_wait3A_446] : memref<4x100x128xf32, #tpu.memory_space<vmem>> -> memref<1x100x128xf32, #tpu.memory_space<vmem>>
    %dma_wait3A_448 = tpu.memref_squeeze %dma_wait3A_447 : memref<1x100x128xf32, #tpu.memory_space<vmem>> -> memref<100x128xf32, #tpu.memory_space<vmem>>
    %dma_wait3A_449 = arith.constant 50 : i32
    %dma_wait3A_450 = arith.constant 0 : i32
    %dma_wait3A_451 = tpu.memref_slice %dma_wait3A_448[%dma_wait3A_449, %dma_wait3A_450] : memref<100x128xf32, #tpu.memory_space<vmem>> -> memref<50x128xf32, #tpu.memory_space<vmem>>
    %dma_wait3A_452 = arith.constant 0 : i32
    %dma_wait3A_453 = arith.constant 0 : i32
    %dma_wait3A_454 = tpu.memref_slice %arg4[%add3A_443, %dma_wait3A_452, %dma_wait3A_453] : memref<16384x50x128xf32, #tpu.memory_space<hbm>> -> memref<1x50x128xf32, #tpu.memory_space<hbm>>
    %dma_wait3A_455 = tpu.memref_squeeze %dma_wait3A_454 : memref<1x50x128xf32, #tpu.memory_space<hbm>> -> memref<50x128xf32, #tpu.memory_space<hbm>>
    %dma_wait3A_456 = arith.constant 0 : i32
    %dma_wait3A_457 = arith.constant 0 : i32
    %dma_wait3A_458 = tpu.memref_slice %arg4[%add3A_443, %dma_wait3A_456, %dma_wait3A_457] : memref<16384x50x128xf32, #tpu.memory_space<hbm>> -> memref<1x50x128xf32, #tpu.memory_space<hbm>>
    %dma_wait3A_459 = tpu.memref_squeeze %dma_wait3A_458 : memref<1x50x128xf32, #tpu.memory_space<hbm>> -> memref<50x128xf32, #tpu.memory_space<hbm>>
    %dma_wait3A_460 = arith.constant 0 : i32
    %dma_wait3A_461 = arith.constant 0 : i32
    %dma_wait3A_462 = tpu.memref_slice %arg6[%dma_wait3A_444, %dma_wait3A_460, %dma_wait3A_461] : memref<4x100x128xf32, #tpu.memory_space<vmem>> -> memref<1x100x128xf32, #tpu.memory_space<vmem>>
    %dma_wait3A_463 = tpu.memref_squeeze %dma_wait3A_462 : memref<1x100x128xf32, #tpu.memory_space<vmem>> -> memref<100x128xf32, #tpu.memory_space<vmem>>
    %dma_wait3A_464 = arith.constant 50 : i32
    %dma_wait3A_465 = arith.constant 0 : i32
    %dma_wait3A_466 = tpu.memref_slice %dma_wait3A_463[%dma_wait3A_464, %dma_wait3A_465] : memref<100x128xf32, #tpu.memory_space<vmem>> -> memref<50x128xf32, #tpu.memory_space<vmem>>
    tpu.wait_dma2 semaphore(%arg13 : memref<!tpu.dma_semaphore, #tpu.memory_space<semaphore_mem>>) src(%dma_wait3A_466 : memref<50x128xf32, #tpu.memory_space<vmem>>) dst(%dma_wait3A_459 : memref<50x128xf32, #tpu.memory_space<hbm>>)
    %add3A_467 = arith.constant 510 : i32
    %add3A_468 = arith.addi %mul3A_4, %add3A_467 : i32
    %add3A_469 = arith.constant 0 : i32
    %add3A_470 = arith.addi %add3A_468, %add3A_469 : i32
    %dma_wait3A_471 = arith.constant 3 : i32
    %dma_wait3A_472 = arith.constant 0 : i32
    %dma_wait3A_473 = arith.constant 0 : i32
    %dma_wait3A_474 = tpu.memref_slice %arg6[%dma_wait3A_471, %dma_wait3A_472, %dma_wait3A_473] : memref<4x100x128xf32, #tpu.memory_space<vmem>> -> memref<1x100x128xf32, #tpu.memory_space<vmem>>
    %dma_wait3A_475 = tpu.memref_squeeze %dma_wait3A_474 : memref<1x100x128xf32, #tpu.memory_space<vmem>> -> memref<100x128xf32, #tpu.memory_space<vmem>>
    %dma_wait3A_476 = arith.constant 0 : i32
    %dma_wait3A_477 = arith.constant 0 : i32
    %dma_wait3A_478 = tpu.memref_slice %dma_wait3A_475[%dma_wait3A_476, %dma_wait3A_477] : memref<100x128xf32, #tpu.memory_space<vmem>> -> memref<50x128xf32, #tpu.memory_space<vmem>>
    %dma_wait3A_479 = arith.constant 0 : i32
    %dma_wait3A_480 = arith.constant 0 : i32
    %dma_wait3A_481 = tpu.memref_slice %arg4[%add3A_470, %dma_wait3A_479, %dma_wait3A_480] : memref<16384x50x128xf32, #tpu.memory_space<hbm>> -> memref<1x50x128xf32, #tpu.memory_space<hbm>>
    %dma_wait3A_482 = tpu.memref_squeeze %dma_wait3A_481 : memref<1x50x128xf32, #tpu.memory_space<hbm>> -> memref<50x128xf32, #tpu.memory_space<hbm>>
    %dma_wait3A_483 = arith.constant 0 : i32
    %dma_wait3A_484 = arith.constant 0 : i32
    %dma_wait3A_485 = tpu.memref_slice %arg4[%add3A_470, %dma_wait3A_483, %dma_wait3A_484] : memref<16384x50x128xf32, #tpu.memory_space<hbm>> -> memref<1x50x128xf32, #tpu.memory_space<hbm>>
    %dma_wait3A_486 = tpu.memref_squeeze %dma_wait3A_485 : memref<1x50x128xf32, #tpu.memory_space<hbm>> -> memref<50x128xf32, #tpu.memory_space<hbm>>
    %dma_wait3A_487 = arith.constant 0 : i32
    %dma_wait3A_488 = arith.constant 0 : i32
    %dma_wait3A_489 = tpu.memref_slice %arg6[%dma_wait3A_471, %dma_wait3A_487, %dma_wait3A_488] : memref<4x100x128xf32, #tpu.memory_space<vmem>> -> memref<1x100x128xf32, #tpu.memory_space<vmem>>
    %dma_wait3A_490 = tpu.memref_squeeze %dma_wait3A_489 : memref<1x100x128xf32, #tpu.memory_space<vmem>> -> memref<100x128xf32, #tpu.memory_space<vmem>>
    %dma_wait3A_491 = arith.constant 0 : i32
    %dma_wait3A_492 = arith.constant 0 : i32
    %dma_wait3A_493 = tpu.memref_slice %dma_wait3A_490[%dma_wait3A_491, %dma_wait3A_492] : memref<100x128xf32, #tpu.memory_space<vmem>> -> memref<50x128xf32, #tpu.memory_space<vmem>>
    tpu.wait_dma2 semaphore(%arg14 : memref<!tpu.dma_semaphore, #tpu.memory_space<semaphore_mem>>) src(%dma_wait3A_493 : memref<50x128xf32, #tpu.memory_space<vmem>>) dst(%dma_wait3A_486 : memref<50x128xf32, #tpu.memory_space<hbm>>)
    %add3A_494 = arith.constant 1 : i32
    %add3A_495 = arith.addi %add3A_468, %add3A_494 : i32
    %dma_wait3A_496 = arith.constant 3 : i32
    %dma_wait3A_497 = arith.constant 0 : i32
    %dma_wait3A_498 = arith.constant 0 : i32
    %dma_wait3A_499 = tpu.memref_slice %arg6[%dma_wait3A_496, %dma_wait3A_497, %dma_wait3A_498] : memref<4x100x128xf32, #tpu.memory_space<vmem>> -> memref<1x100x128xf32, #tpu.memory_space<vmem>>
    %dma_wait3A_500 = tpu.memref_squeeze %dma_wait3A_499 : memref<1x100x128xf32, #tpu.memory_space<vmem>> -> memref<100x128xf32, #tpu.memory_space<vmem>>
    %dma_wait3A_501 = arith.constant 50 : i32
    %dma_wait3A_502 = arith.constant 0 : i32
    %dma_wait3A_503 = tpu.memref_slice %dma_wait3A_500[%dma_wait3A_501, %dma_wait3A_502] : memref<100x128xf32, #tpu.memory_space<vmem>> -> memref<50x128xf32, #tpu.memory_space<vmem>>
    %dma_wait3A_504 = arith.constant 0 : i32
    %dma_wait3A_505 = arith.constant 0 : i32
    %dma_wait3A_506 = tpu.memref_slice %arg4[%add3A_495, %dma_wait3A_504, %dma_wait3A_505] : memref<16384x50x128xf32, #tpu.memory_space<hbm>> -> memref<1x50x128xf32, #tpu.memory_space<hbm>>
    %dma_wait3A_507 = tpu.memref_squeeze %dma_wait3A_506 : memref<1x50x128xf32, #tpu.memory_space<hbm>> -> memref<50x128xf32, #tpu.memory_space<hbm>>
    %dma_wait3A_508 = arith.constant 0 : i32
    %dma_wait3A_509 = arith.constant 0 : i32
    %dma_wait3A_510 = tpu.memref_slice %arg4[%add3A_495, %dma_wait3A_508, %dma_wait3A_509] : memref<16384x50x128xf32, #tpu.memory_space<hbm>> -> memref<1x50x128xf32, #tpu.memory_space<hbm>>
    %dma_wait3A_511 = tpu.memref_squeeze %dma_wait3A_510 : memref<1x50x128xf32, #tpu.memory_space<hbm>> -> memref<50x128xf32, #tpu.memory_space<hbm>>
    %dma_wait3A_512 = arith.constant 0 : i32
    %dma_wait3A_513 = arith.constant 0 : i32
    %dma_wait3A_514 = tpu.memref_slice %arg6[%dma_wait3A_496, %dma_wait3A_512, %dma_wait3A_513] : memref<4x100x128xf32, #tpu.memory_space<vmem>> -> memref<1x100x128xf32, #tpu.memory_space<vmem>>
    %dma_wait3A_515 = tpu.memref_squeeze %dma_wait3A_514 : memref<1x100x128xf32, #tpu.memory_space<vmem>> -> memref<100x128xf32, #tpu.memory_space<vmem>>
    %dma_wait3A_516 = arith.constant 50 : i32
    %dma_wait3A_517 = arith.constant 0 : i32
    %dma_wait3A_518 = tpu.memref_slice %dma_wait3A_515[%dma_wait3A_516, %dma_wait3A_517] : memref<100x128xf32, #tpu.memory_space<vmem>> -> memref<50x128xf32, #tpu.memory_space<vmem>>
    tpu.wait_dma2 semaphore(%arg14 : memref<!tpu.dma_semaphore, #tpu.memory_space<semaphore_mem>>) src(%dma_wait3A_518 : memref<50x128xf32, #tpu.memory_space<vmem>>) dst(%dma_wait3A_511 : memref<50x128xf32, #tpu.memory_space<hbm>>)
    return
  }
}

</mosaic_0001>

<sc_bundles>
// kernel: kernel.3.cloned.1.call-start
scs
__scs_entry_jumppad:
0x0: {  	(pc) =	sbr.rel $0x88, $3  }
0x1: {  	(tag) =	ssettag $0x0;
	lr =	simm.s32 $0x1  }
0x2: {  	[smem:$0x3F9F] =	sst lr;
	_ =	strace $0xD0000000  }
0x3: {  	_ = 	snop  }
0x4: {  	_ = 	snop  }
0x5: {  	_ = 	snop  }
0x6: {  	_ = 	snop  }
0x7: {  	_ = 	snop  }
__scs_overlays_trampoline_lowered:
0x8: {  	[smem:$0x3FAE] =	sst s0  }
0x9: {  	[smem:$0x3FAF] =	sst s1  }
0xa: {  	[smem:$0x3FB0] =	sst s2  }
0xb: {  	[smem:$0x3FB1] =	sst s3  }
0xc: {  	[smem:$0x3FB2] =	sst s4  }
0xd: {  	[smem:$0x3FB3] =	sst s5  }
0xe: {  	[smem:$0x3FB4] =	sst s6  }
0xf: {  	[smem:$0x3FB5] =	sst s7  }
0x10: {  	[smem:$0x3FB6] =	sst s8  }
0x11: {  	[smem:$0x3FB7] =	sst s9;
	s0 =	simm.s32 @!p0 $0x0  }
0x12: {  	s1 =	sld [smem:$0x3F9D];
	s0 =	simm.s32 @p0 $0x1  }
0x13: {  	[smem:$0x3FB8] =	sst s0;
	s0 =	simm.s32 @!p1 $0x0  }
0x14: {  	s2 =	sld [smem:$0x3F9C];
	s0 =	simm.s32 @p1 $0x1  }
0x15: {  	[smem:$0x3FB9] =	sst s0;
	s0 =	simm.s32 @!p2 $0x0  }
0x16: {  	s3 =	sld [smem:$0x3FDB];
	s0 =	simm.s32 @p2 $0x1  }
0x17: {  	s4 =	simm.s32 $0x1BF5;
	[smem:$0x3FBB] =	sst s0  }
0x18: {  	s0 =	sld [smem:$0x3F9E];
	_ =	swait.ge [sflag:s4], $0x0  }
0x19: {  	s7 =	sld [smem:$0x3F9F]  }
0x1a: {  	s8 =	sadd.s32 $0xFFFFE003, lr  }
0x1b: {  	s9 =	sadd.s32 $0xFFFFFEF7, lr;
	s5 =	simm.s32 $0xFFFFFFFF;
	p2 =	slt.u32 s8, $0xFFFFF086  }
0x1c: {  	p1 =	slt.u32 s9, $0xF7A;
	s5 =	simm.s32 @!p2 $0x0  }
0x1d: {  	s5 =	simm.s32 @p1 $0x1;
	p0 =	seq.s32 s7, s2  }
0x1e: {  	s7 =	smul.u32 @!p0 $0xF7A, s2;
	p2 =	seq.s32 @!p0 s5, $0x0  }
0x1f: {  	s9 =	smul.u32 $0xF7A, s1;
	s8 =	simm.s32 @!p0 $0x1BF5;
	p2 =	por !p2, p0  }
0x20: {  	[sflag:s8] =	ssyncset.s32 @!p0 $0xFFFFF086;
	s6 =	sadd.s32 @!p0 s3, s7;
	s7 =	simm.s32 @!p0 $0x108  }
0x21: {  	s3 =	sadd.s32 s3, s9;
	s6 =	sadd.s32 @!p0 $0x88, s6;
	s7 =	simm.s32 @p2 $0x1082  }
0x22: {  	[simem:s7], [sflag:s8] =	dma.local @!p0 [hbm:s6], $0xF7A  }
0x23: {  	s9 =	sor.u32 $0xD0000000, s2;
	s6 =	simm.s32 $0x108;
	_ =	swait.ge @!p0 [sflag:s8], $0x0  }
0x24: {  	s3 =	sadd.s32 $0x88, s3;
	s6 =	simm.s32 @!p1 $0x1082;
	[sflag:s4] =	ssyncset.s32 $0xFFFFF086  }
0x25: {  	[simem:s6], [sflag:s4] =	dma.local [hbm:s3], $0xF7A  }
0x26: {  	[smem:$0x3F9F] =	sst s1;
	(tag) =	ssettag s2;
	_ =	strace s9  }
0x27: {  	s1 =	sld [smem:$0x3FAF]  }
0x28: {  	s2 =	sld [smem:$0x3FB0]  }
0x29: {  	s4 =	sld [smem:$0x3FB2]  }
0x2a: {  	p0 =	seq.s32 s5, $0x0;
	s5 =	sld [smem:$0x3FB3]  }
0x2b: {  	s6 =	sld [smem:$0x3FB4]  }
0x2c: {  	s7 =	sld [smem:$0x3FB5]  }
0x2d: {  	s3 =	simm.s32 $0x108;
	s8 =	sld [smem:$0x3FB6]  }
0x2e: {  	s3 =	simm.s32 @!p0 $0x1082;
	s9 =	sld [smem:$0x3FB7]  }
0x2f: {  	lr =	sadd.s32 s0, s3;
	s0 =	sld [smem:$0x3FAE]  }
0x30: {  	s3 =	sld [smem:$0x3FB1]  }
0x31: {  	[smem:$0x3FBA] =	sst s10  }
0x32: {  	s10 =	sld [smem:$0x3FB8];
	_ =	sdelay $0x3  }
0x33: {  	p0 =	seq.s32 s10, $0x1;
	s10 =	sld [smem:$0x3FBA];
	_ =	sdelay $0x3  }
0x34: {  	[smem:$0x3FBA] =	sst s10  }
0x35: {  	s10 =	sld [smem:$0x3FB9];
	_ =	sdelay $0x3  }
0x36: {  	p1 =	seq.s32 s10, $0x1;
	s10 =	sld [smem:$0x3FBA];
	_ =	sdelay $0x3  }
0x37: {  	[smem:$0x3FBA] =	sst s10  }
0x38: {  	s10 =	sld [smem:$0x3FBB]  }
0x39: {  	_ = 	snop;
	(pc) =	sbr.ind lr, $3  }
0x3a: {  	_ = 	snop  }
0x3b: {  	_ = 	snop  }
0x3c: {  	p2 =	seq.s32 s10, $0x1;
	s10 =	sld [smem:$0x3FBA]  }
0x3d: {  	_ =	shalt  }
0x3e: {  	_ =	shalt  }
0x3f: {  	_ =	shalt  }
0x40: {  	_ =	shalt  }
0x41: {  	_ =	shalt  }
0x42: {  	_ =	shalt  }
0x43: {  	_ =	shalt  }
0x44: {  	_ =	shalt  }
0x45: {  	_ =	shalt  }
0x46: {  	_ =	shalt  }
0x47: {  	_ =	shalt  }
0x48: {  	_ =	shalt  }
0x49: {  	_ =	shalt  }
0x4a: {  	_ =	shalt  }
0x4b: {  	_ =	shalt  }
0x4c: {  	_ =	shalt  }
0x4d: {  	_ =	shalt  }
0x4e: {  	_ =	shalt  }
0x4f: {  	_ =	shalt  }
0x50: {  	_ =	shalt  }
0x51: {  	_ =	shalt  }
0x52: {  	_ =	shalt  }
0x53: {  	_ =	shalt  }
0x54: {  	_ =	shalt  }
0x55: {  	_ =	shalt  }
0x56: {  	_ =	shalt  }
0x57: {  	_ =	shalt  }
0x58: {  	_ =	shalt  }
0x59: {  	_ =	shalt  }
0x5a: {  	_ =	shalt  }
0x5b: {  	_ =	shalt  }
0x5c: {  	_ =	shalt  }
0x5d: {  	_ =	shalt  }
0x5e: {  	_ =	shalt  }
0x5f: {  	_ =	shalt  }
0x60: {  	_ =	shalt  }
0x61: {  	_ =	shalt  }
0x62: {  	_ =	shalt  }
0x63: {  	_ =	shalt  }
0x64: {  	_ =	shalt  }
0x65: {  	_ =	shalt  }
0x66: {  	_ =	shalt  }
0x67: {  	_ =	shalt  }
0x68: {  	_ =	shalt  }
0x69: {  	_ =	shalt  }
0x6a: {  	_ =	shalt  }
0x6b: {  	_ =	shalt  }
0x6c: {  	_ =	shalt  }
0x6d: {  	_ =	shalt  }
0x6e: {  	_ =	shalt  }
0x6f: {  	_ =	shalt  }
0x70: {  	_ =	shalt  }
0x71: {  	_ =	shalt  }
0x72: {  	_ =	shalt  }
0x73: {  	_ =	shalt  }
0x74: {  	_ =	shalt  }
0x75: {  	_ =	shalt  }
0x76: {  	_ =	shalt  }
0x77: {  	_ =	shalt  }
0x78: {  	_ =	shalt  }
0x79: {  	_ =	shalt  }
0x7a: {  	_ =	shalt  }
0x7b: {  	_ =	shalt  }
0x7c: {  	_ =	shalt  }
0x7d: {  	_ =	shalt  }
0x7e: {  	_ =	shalt  }
0x7f: {  	_ =	shalt  }
0x80: {  	_ =	shalt  }
0x81: {  	_ =	shalt  }
0x82: {  	_ =	shalt  }
0x83: {  	_ =	shalt  }
0x84: {  	_ =	shalt  }
0x85: {  	_ =	shalt  }
0x86: {  	_ =	shalt  }
0x87: {  	_ =	shalt  }
.Lfunc_end0:
.L_simem_size_0:
called_computation_lowered:
.L_overlay_start_0:
0x88: {  	s2 =	sld [smem:$0x3FD9]  }
0x89: {  	s3 =	sld [smem:$0x3FFE];
	_ =	sdelay $0x1  }
0x8a: {  	s1 =	srdreg.scid  }
0x8b: {  	s0 =	sand.u32 $0x1, s1  }
0x8c: {  	s17 =	sshll.u32 s0, $0xA;
	s2 =	sadd.s32 s3, s2  }
0x8d: {  	s2 =	sadd.s32 s2, s17  }
0x8e: {  	[smem:$0x3FC6] =	sst s2  }
0x8f: {  	_ = 	snop  }
0x90: {  	s2 =	sld [smem:$0x3FC8]  }
0x91: {  	s18 =	sld [smem:$0x3FD0];
	(tm) =	ssettm $0x1  }
0x92: {  	s4 =	sld [smem:$0x3FFB];
	_ =	sdelay $0x3  }
0x93: {  	_ =	strace s4  }
0x94: {  	s4 =	sld [smem:$0x3FFC];
	_ =	sdelay $0x3  }
0x95: {  	_ =	strace s4  }
0x96: {  	s4 =	sld [smem:$0x3FFD];
	_ =	sdelay $0x3  }
0x97: {  	_ =	strace s4  }
0x98: {  	_ =	strace $0x8FFFFFFF  }
0x99: {  	s19 =	sld [smem:$0x3FDB];
	_ =	sdelay $0x1  }
0x9a: {  	s5 =	simm.s32 $_scs_section_size  }
0x9b: {  	s6 =	simm.s32 $_size__tile_overlayer_lowered;
	s7 =	simm.s32 $_tile_overlayer_lowered  }
0x9c: {  	s22 =	simm.s32 $0x1BFF;
	s21 =	sshll.u32 s7, $0x1;
	s4 =	sadd.s32 s5, s19  }
0x9d: {  	s8 =	simm.s32 $0x0;
	s20 =	sshll.u32 s6, $0x1;
	s6 =	sadd.s32 s21, s4  }
0x9e: {  	[timem:s8], [sflag:s22] =	dma.local [hbm:s6], s20  }
0x9f: {  	_ =	swait.ge [sflag:s22], s20  }
0xa0: {  	s5 =	ssub.s32 $0x0, s20;
	[sflag:s22] =	ssyncset.done $0x0  }
0xa1: {  	[sflag:s22] =	ssyncadd.s32 s5;
	_ =	sdelay $0x1  }
0xa2: {  	s23 =	simm.s32 $0x1B8B  }
0xa3: {  	_ =	swait.ge [sflag:s23], $0x1  }
0xa4: {  	[sflag:s23] =	ssyncset.done $0x0  }
0xa5: {  	s25 =	simm.s32 $0x1B8E;
	s24 =	sld [smem:$0x3FFE];
	[sflag:s23] =	ssyncadd.s32 $0xFFFFFFFF  }
0xa6: {  	s26 =	simm.s32 $execute0_lowered;
	[smem:$0x3FD2] =	sst s25  }
0xa7: {  	s6 =	sshll.u32 s26, $0x1;
	_ =	strace $0x80000046;
	[dreg:$0x1] =	wrdreg $0xFFFFFFFF  }
0xa8: {  	s28 =	simm.s32 $_size_execute0_lowered;
	s4 =	sadd.s32 s4, s6;
	[dreg:$0x0] =	wrdreg $0x0  }
0xa9: {  	s6 =	sshll.u32 s28, $0x1;
	[dreg:$0x2] =	wrdreg s4  }
0xaa: {  	[dreg:$0x3] =	wrdreg s6  }
0xab: {  	[dreg:$0x4] =	wrdreg $0xC0  }
0xac: {  	_ =	task [dreg:s8], $0x5FFFF  }
0xad: {  	[dreg:$0x1] =	wrdreg $0xFFFFFFFF  }
0xae: {  	[dreg:$0x0] =	wrdreg $0x60  }
0xaf: {  	[dreg:$0x2] =	wrdreg s18  }
0xb0: {  	[dreg:$0x3] =	wrdreg s2  }
0xb1: {  	[dreg:$0x4] =	wrdreg s24  }
0xb2: {  	[dreg:$0x5] =	wrdreg $0x9  }
0xb3: {  	_ =	task.clear_ibuf [dreg:s8], $0x6FFFF;
	_ =	strace $0x90000046  }
0xb4: {  	s29 =	simm.s32 $0x9;
	_ =	strace $0x80000048  }
0xb5: {  	_ =	swait.ge [sflag:s29], $0x1  }
0xb6: {  	[sflag:s29] =	ssyncadd.s32 $0xFFFFFFFF  }
0xb7: {  	_ =	strace $0x90000048  }
0xb8: {  	_ =	sfence  }
0xb9: {  	s30 =	sld [smem:$0x0];
	_ =	sdelay $0x2  }
0xba: {  	s31 =	sshll.u32 s1, $0xD;
	s1 =	sshrl.u32 s1, $0x2  }
0xbb: {  	s3 =	sand.u32 $0x4000, s31;
	s1 =	sadd.s32 s1, s30  }
0xbc: {  	s0 =	sor.u32 s3, s0;
	s1 =	sshll.u32 s1, $0x11  }
0xbd: {  	s0 =	sor.u32 s1, s0  }
0xbe: {  	s0 =	sadd.s32 $0x8F2B, s0  }
0xbf: {  	[sflag:s0] =	ssyncadd.remote.s32 $0x1  }
0xc0: {  	_ =	sfence.sel $0xFFFF  }
0xc1: {  	[dreg:$0x0] =	wrdreg $0xFFFFFFFF;
	(pc) =	sbr.abs _section_cstart, $3  }
0xc2: {  	[dreg:$0x1] =	wrdreg $0xFFFFFFFF  }
0xc3: {  	_ =	task.clear_ibuf [dreg:s8], $0x2FFFF;
	_ =	strace $0x9FFFFFFF  }
0xc4: {  	(tm) =	ssettm $0x7FFFFFFF  }
0xc5: {  	_ =	shalt  }
tec
execute0_lowered:
.L_overlay_start_1:
0x0: {  	(tag) =	ssettag $0x1  }
0x1: {  	s0 =	rddreg [dreg:$0x0]  }
0x2: {  	s2 =	rddreg [dreg:$0x1];
	s1 =	srdreg.scid  }
0x3: {  	s11 =	stileid.u32;
	s4 =	rddreg [dreg:$0x2];
	s3 =	simm.s32 $0x0  }
0x4: {  	s14 =	simm.s32 $0x9;
	s28 =	simm.s32 $0x3;
	s29 =	simm.s32 $0x10100  }
0x5: {  	s30 =	simm.s32 $0x4;
	s31 =	simm.s32 $0x13500;
	s9 =	smul.u32 $0x700000, s11  }
0x6: {  	s1 =	sand.u32 $0x1, s1;
	s5 =	sshll.u32 s11, $0x1;
	s12 =	smul.u32 $0xE0000, s11  }
0x7: {  	[smem:$0x7FF] =	sst s3;
	s4 =	sadd.s32 $0x400, s4;
	s10 =	smul.u32 $0x380000, s1  }
0x8: {  	s5 =	sor.u32 s1, s5;
	s7 =	ssub.s32 $0x2, s1;
	s1 =	smul.u32 $0x70000, s1  }
0x9: {  	_ =	strace $0x80000047;
	s6 =	smul.u32 $0x380000, s5;
	s8 =	sshrl.u32 s7, $0x1  }
0xa: {  	s5 =	sshll.u32 s5, $0xC;
	s23 =	sadd.s32 s12, s4;
	s13 =	ssub.s32 s7, s8  }
0xb: {  	s0 =	sadd.s32 s0, s5;
	s18 =	sadd.s32 s10, s9;
	s1 =	sadd.s32 s1, s23  }
0xc: {  	s23 =	simm.s32 $0x1;
	s6 =	sshrl.u32 s6, $0x3;
	[dreg:$0x8] =	wrdreg s0  }
0xd: {  	s21 =	sor.u32 $0xC400, s18;
	s24 =	sor.u32 $0x8C00, s18;
	s0 =	sor.u32 $0x5400, s18  }
0xe: {  	[dreg:$0x5] =	wrdreg s1;
	s13 =	smax.u32 s13, $0x1;
	s6 =	sadd.s32 s4, s6  }
0xf: {  	s18 =	simm.s32 $0xB400;
	s1 =	simm.s32 $0x5;
	s15 =	sadd.s32 $0x6E400, s6  }
0x10: {  	s5 =	sshrl.u32 s21, $0x3;
	s16 =	sadd.s32 $0x6E780, s6;
	[dreg:$0x9] =	wrdreg s15  }
0x11: {  	s25 =	sshrl.u32 s24, $0x3;
	s17 =	sadd.s32 $0x6EB00, s6;
	[dreg:$0xa] =	wrdreg s16  }
0x12: {  	s0 =	sshrl.u32 s0, $0x3;
	s19 =	sadd.s32 $0x6EE80, s6;
	[dreg:$0xb] =	wrdreg s17  }
0x13: {  	s24 =	simm.s32 $0x9900;
	s20 =	sadd.s32 $0x6F200, s6;
	[dreg:$0xc] =	wrdreg s19  }
0x14: {  	s21 =	simm.s32 $0x0;
	s22 =	sadd.s32 $0x6F580, s6;
	[dreg:$0xd] =	wrdreg s20  }
0x15: {  	s11 =	sadd.s32 $0x6F900, s6;
	s5 =	sadd.s32 s5, s4;
	[dreg:$0xe] =	wrdreg s22  }
0x16: {  	s26 =	sadd.s32 s25, s4;
	s12 =	sadd.s32 $0x6FC80, s6;
	[dreg:$0x4] =	wrdreg s5  }
0x17: {  	s0 =	sadd.s32 s0, s4;
	s25 =	simm.s32 $0x2;
	[dreg:$0x6] =	wrdreg s26  }
0x18: {  	[dreg:$0x7] =	wrdreg s0;
	s15 =	simm.s32 $0x64;
	s16 =	simm.s32 $0x8000  }
0x19: {  	s20 =	simm.s32 $0xE800;
	s22 =	simm.s32 $0x11C00;
	s26 =	simm.s32 $0xCD00  }
0x1a: {  	s0 =	simm.s32 $0x6;
	s17 =	simm.s32 $0x7;
	s19 =	simm.s32 $0x8  }
.LBB2_1:
0x1b: {  	s4 =	rddreg [dreg:$0x8]  }
0x1c: {  	[tilespmem:s3], [sflag:$0x9] =	stream.linear.gather [hbm4b:s4+s3], $0x8000, $0x38;
	[tilespmem:$0x15000] =	vst v63  }
0x1d: {  	_ =	swait.ge [sflag:s14], $0x8000  }
0x1e: {  	[sflag:s14] =	ssyncset.done $0x0  }
0x1f: {  	[sflag:s14] =	ssyncadd.s32 $0xFFFF8000  }
0x20: {  	[tilespmem:s16], [sflag:$0x1] =	stream.indirect.gather [hbm4b:s2+s15], $0x80, s3, s15, $0xb8;
	[tilespmem:$0x15000] =	vst v63  }
0x21: {  	s10 =	simm.s32 $0x80  }
0x22: {  	[tilespmem:s18], [sflag:$0x2] =	stream.indirect.gather [hbm4b:s2+s15], $0x80, s10, s15, $0xb8;
	[tilespmem:$0x15000] =	vst v63  }
0x23: {  	s5 =	simm.s32 $0x100  }
0x24: {  	[tilespmem:s20], [sflag:$0x3] =	stream.indirect.gather [hbm4b:s2+s15], $0x80, s5, s15, $0xb8;
	[tilespmem:$0x15000] =	vst v63  }
0x25: {  	s6 =	simm.s32 $0x180  }
0x26: {  	[tilespmem:s22], [sflag:$0x4] =	stream.indirect.gather [hbm4b:s2+s15], $0x80, s6, s15, $0xb8;
	[tilespmem:$0x15000] =	vst v63  }
0x27: {  	_ =	swait.ge [sflag:s23], $0x3200  }
0x28: {  	s7 =	rddreg [dreg:$0x5];
	[sflag:s23] =	ssyncset.done $0x0  }
0x29: {  	[sflag:s23] =	ssyncadd.s32 $0xFFFFCE00;
	s4 =	sadd.s32 $0x0, s7  }
0x2a: {  	[hbm4b:s4+s3] =	stream.linear.scatter [tilespmem:s16], [sflag:$0x5], $0x1900, $0x38;
	[tilespmem:$0x15000] =	vst v63  }
0x2b: {  	s5 =	sadd.s32 $0x380, s4  }
0x2c: {  	[hbm4b:s5+s3] =	stream.linear.scatter [tilespmem:s24], [sflag:$0x5], $0x1900, $0x38;
	[tilespmem:$0x15000] =	vst v63  }
0x2d: {  	_ =	swait.ge [sflag:s25], $0x3200  }
0x2e: {  	[sflag:s25] =	ssyncset.done $0x0  }
0x2f: {  	s6 =	sadd.s32 $0x700, s4;
	s8 =	rddreg [dreg:$0x7];
	[sflag:s25] =	ssyncadd.s32 $0xFFFFCE00  }
0x30: {  	[hbm4b:s6+s3] =	stream.linear.scatter [tilespmem:s18], [sflag:$0x6], $0x1900, $0x38;
	[tilespmem:$0x15000] =	vst v63  }
0x31: {  	s5 =	sadd.s32 $0x0, s8  }
0x32: {  	[hbm4b:s5+s3] =	stream.linear.scatter [tilespmem:s26], [sflag:$0x6], $0x1900, $0x38;
	[tilespmem:$0x15000] =	vst v63  }
0x33: {  	_ =	swait.ge [sflag:s28], $0x3200  }
0x34: {  	[sflag:s28] =	ssyncset.done $0x0  }
0x35: {  	s10 =	sadd.s32 $0xE00, s4;
	s9 =	rddreg [dreg:$0x6];
	[sflag:s28] =	ssyncadd.s32 $0xFFFFCE00  }
0x36: {  	[hbm4b:s10+s3] =	stream.linear.scatter [tilespmem:s20], [sflag:$0x7], $0x1900, $0x38;
	[tilespmem:$0x15000] =	vst v63  }
0x37: {  	s5 =	sadd.s32 $0x0, s9  }
0x38: {  	[hbm4b:s5+s3] =	stream.linear.scatter [tilespmem:s29], [sflag:$0x7], $0x1900, $0x38;
	[tilespmem:$0x15000] =	vst v63  }
0x39: {  	_ =	swait.ge [sflag:s30], $0x3200  }
0x3a: {  	[sflag:s30] =	ssyncset.done $0x0  }
0x3b: {  	s4 =	sadd.s32 $0x1500, s4;
	s6 =	rddreg [dreg:$0x4];
	[sflag:s30] =	ssyncadd.s32 $0xFFFFCE00  }
0x3c: {  	[hbm4b:s4+s3] =	stream.linear.scatter [tilespmem:s22], [sflag:$0x8], $0x1900, $0x38;
	[tilespmem:$0x15000] =	vst v63  }
0x3d: {  	s7 =	sadd.s32 $0x0, s6  }
0x3e: {  	[hbm4b:s7+s3] =	stream.linear.scatter [tilespmem:s31], [sflag:$0x8], $0x1900, $0x38;
	[tilespmem:$0x15000] =	vst v63  }
0x3f: {  	_ =	swait.ge [sflag:s1], $0x1900  }
0x40: {  	[sflag:s1] =	ssyncset.done $0x0  }
0x41: {  	[sflag:s1] =	ssyncadd.s32 $0xFFFFE700  }
0x42: {  	_ =	swait.ge [sflag:s1], $0x1900  }
0x43: {  	[sflag:s1] =	ssyncset.done $0x0  }
0x44: {  	s8 =	simm.s32 $0x200;
	[sflag:s1] =	ssyncadd.s32 $0xFFFFE700  }
0x45: {  	[tilespmem:s16], [sflag:$0x1] =	stream.indirect.gather [hbm4b:s2+s15], $0x80, s8, s15, $0xb8;
	[tilespmem:$0x15000] =	vst v63  }
0x46: {  	_ =	swait.ge [sflag:s0], $0x1900  }
0x47: {  	[sflag:s0] =	ssyncset.done $0x0  }
0x48: {  	[sflag:s0] =	ssyncadd.s32 $0xFFFFE700  }
0x49: {  	_ =	swait.ge [sflag:s0], $0x1900  }
0x4a: {  	[sflag:s0] =	ssyncset.done $0x0  }
0x4b: {  	s9 =	simm.s32 $0x280;
	[sflag:s0] =	ssyncadd.s32 $0xFFFFE700  }
0x4c: {  	[tilespmem:s18], [sflag:$0x2] =	stream.indirect.gather [hbm4b:s2+s15], $0x80, s9, s15, $0xb8;
	[tilespmem:$0x15000] =	vst v63  }
0x4d: {  	_ =	swait.ge [sflag:s17], $0x1900  }
0x4e: {  	[sflag:s17] =	ssyncset.done $0x0  }
0x4f: {  	[sflag:s17] =	ssyncadd.s32 $0xFFFFE700  }
0x50: {  	_ =	swait.ge [sflag:s17], $0x1900  }
0x51: {  	[sflag:s17] =	ssyncset.done $0x0  }
0x52: {  	s10 =	simm.s32 $0x300;
	[sflag:s17] =	ssyncadd.s32 $0xFFFFE700  }
0x53: {  	[tilespmem:s20], [sflag:$0x3] =	stream.indirect.gather [hbm4b:s2+s15], $0x80, s10, s15, $0xb8;
	[tilespmem:$0x15000] =	vst v63  }
0x54: {  	_ =	swait.ge [sflag:s19], $0x1900  }
0x55: {  	[sflag:s19] =	ssyncset.done $0x0  }
0x56: {  	[sflag:s19] =	ssyncadd.s32 $0xFFFFE700  }
0x57: {  	_ =	swait.ge [sflag:s19], $0x1900  }
0x58: {  	s5 =	simm.s32 $0x1C00;
	[sflag:s19] =	ssyncset.done $0x0  }
0x59: {  	s6 =	simm.s32 $0x580;
	s4 =	simm.s32 $0x380;
	[sflag:s19] =	ssyncadd.s32 $0xFFFFE700  }
.LBB2_2:
0x5a: {  	[tilespmem:s22], [sflag:$0x4] =	stream.indirect.gather [hbm4b:s2+s15], $0x80, s4, s15, $0xb8;
	[tilespmem:$0x15000] =	vst v63  }
0x5b: {  	_ =	swait.ge [sflag:s23], $0x3200  }
0x5c: {  	s7 =	smov.u32 s5;
	s8 =	rddreg [dreg:$0x5];
	[sflag:s23] =	ssyncset.done $0x0  }
0x5d: {  	[sflag:s23] =	ssyncadd.s32 $0xFFFFCE00;
	s8 =	sadd.s32 s7, s8  }
0x5e: {  	[hbm4b:s8+s3] =	stream.linear.scatter [tilespmem:s16], [sflag:$0x5], $0x1900, $0x38;
	[tilespmem:$0x15000] =	vst v63  }
0x5f: {  	s9 =	sadd.s32 $0x380, s8  }
0x60: {  	[hbm4b:s9+s3] =	stream.linear.scatter [tilespmem:s24], [sflag:$0x5], $0x1900, $0x38;
	[tilespmem:$0x15000] =	vst v63  }
0x61: {  	_ =	swait.ge [sflag:s25], $0x3200  }
0x62: {  	[sflag:s25] =	ssyncset.done $0x0  }
0x63: {  	s10 =	sadd.s32 $0x700, s8;
	s9 =	rddreg [dreg:$0x7];
	[sflag:s25] =	ssyncadd.s32 $0xFFFFCE00  }
0x64: {  	[hbm4b:s10+s3] =	stream.linear.scatter [tilespmem:s18], [sflag:$0x6], $0x1900, $0x38;
	[tilespmem:$0x15000] =	vst v63  }
0x65: {  	s9 =	sadd.s32 s7, s9  }
0x66: {  	[hbm4b:s9+s3] =	stream.linear.scatter [tilespmem:s26], [sflag:$0x6], $0x1900, $0x38;
	[tilespmem:$0x15000] =	vst v63  }
0x67: {  	_ =	swait.ge [sflag:s28], $0x3200  }
0x68: {  	[sflag:s28] =	ssyncset.done $0x0  }
0x69: {  	s10 =	sadd.s32 $0xE00, s8;
	s9 =	rddreg [dreg:$0x6];
	[sflag:s28] =	ssyncadd.s32 $0xFFFFCE00  }
0x6a: {  	[hbm4b:s10+s3] =	stream.linear.scatter [tilespmem:s20], [sflag:$0x7], $0x1900, $0x38;
	[tilespmem:$0x15000] =	vst v63  }
0x6b: {  	s9 =	sadd.s32 s7, s9  }
0x6c: {  	[hbm4b:s9+s3] =	stream.linear.scatter [tilespmem:s29], [sflag:$0x7], $0x1900, $0x38;
	[tilespmem:$0x15000] =	vst v63  }
0x6d: {  	_ =	swait.ge [sflag:s30], $0x3200  }
0x6e: {  	[sflag:s30] =	ssyncset.done $0x0  }
0x6f: {  	s8 =	sadd.s32 $0x1500, s8;
	s10 =	rddreg [dreg:$0x4];
	[sflag:s30] =	ssyncadd.s32 $0xFFFFCE00  }
0x70: {  	[hbm4b:s8+s3] =	stream.linear.scatter [tilespmem:s22], [sflag:$0x8], $0x1900, $0x38;
	[tilespmem:$0x15000] =	vst v63  }
0x71: {  	s7 =	sadd.s32 s7, s10  }
0x72: {  	[hbm4b:s7+s3] =	stream.linear.scatter [tilespmem:s31], [sflag:$0x8], $0x1900, $0x38;
	[tilespmem:$0x15000] =	vst v63  }
0x73: {  	_ =	swait.ge [sflag:s1], $0x1900  }
0x74: {  	[sflag:s1] =	ssyncset.done $0x0  }
0x75: {  	[sflag:s1] =	ssyncadd.s32 $0xFFFFE700  }
0x76: {  	_ =	swait.ge [sflag:s1], $0x1900  }
0x77: {  	[sflag:s1] =	ssyncset.done $0x0  }
0x78: {  	s8 =	sadd.s32 $0xFFFFFE80, s6;
	[sflag:s1] =	ssyncadd.s32 $0xFFFFE700  }
0x79: {  	[tilespmem:s16], [sflag:$0x1] =	stream.indirect.gather [hbm4b:s2+s15], $0x80, s8, s15, $0xb8;
	[tilespmem:$0x15000] =	vst v63  }
0x7a: {  	_ =	swait.ge [sflag:s0], $0x1900  }
0x7b: {  	[sflag:s0] =	ssyncset.done $0x0  }
0x7c: {  	[sflag:s0] =	ssyncadd.s32 $0xFFFFE700  }
0x7d: {  	_ =	swait.ge [sflag:s0], $0x1900  }
0x7e: {  	[sflag:s0] =	ssyncset.done $0x0  }
0x7f: {  	s9 =	sadd.s32 $0xFFFFFF00, s6;
	[sflag:s0] =	ssyncadd.s32 $0xFFFFE700  }
0x80: {  	[tilespmem:s18], [sflag:$0x2] =	stream.indirect.gather [hbm4b:s2+s15], $0x80, s9, s15, $0xb8;
	[tilespmem:$0x15000] =	vst v63  }
0x81: {  	_ =	swait.ge [sflag:s17], $0x1900  }
0x82: {  	[sflag:s17] =	ssyncset.done $0x0  }
0x83: {  	[sflag:s17] =	ssyncadd.s32 $0xFFFFE700  }
0x84: {  	_ =	swait.ge [sflag:s17], $0x1900  }
0x85: {  	[sflag:s17] =	ssyncset.done $0x0  }
0x86: {  	s10 =	sadd.s32 $0xFFFFFF80, s6;
	[sflag:s17] =	ssyncadd.s32 $0xFFFFE700  }
0x87: {  	[tilespmem:s20], [sflag:$0x3] =	stream.indirect.gather [hbm4b:s2+s15], $0x80, s10, s15, $0xb8;
	[tilespmem:$0x15000] =	vst v63  }
0x88: {  	p0 =	sne.s32 s5, $0x6C800;
	_ =	swait.ge [sflag:s19], $0x1900  }
.Ltmp0:
0x89: {  	[sflag:s19] =	ssyncset.done $0x0;
	(pc) =	sbr.rel @p0 .LBB2_2-.Ltmp0, $4  }
0x8a: {  	[sflag:s19] =	ssyncadd.s32 $0xFFFFE700  }
0x8b: {  	_ =	swait.ge [sflag:s19], $0x1900  }
0x8c: {  	s4 =	smov.u32 s6;
	[sflag:s19] =	ssyncset.done $0x0  }
0x8d: {  	s5 =	sadd.s32 $0x1C00, s5;
	s6 =	sadd.s32 $0x200, s6;
	[sflag:s19] =	ssyncadd.s32 $0xFFFFE700  }
0x8e: {  	[tilespmem:s22], [sflag:$0x4] =	stream.indirect.gather [hbm4b:s2+s15], $0x80, s4, s15, $0xb8;
	[tilespmem:$0x15000] =	vst v63  }
0x8f: {  	_ =	swait.ge [sflag:s23], $0x3200  }
0x90: {  	[sflag:s23] =	ssyncset.done $0x0  }
0x91: {  	s5 =	rddreg [dreg:$0x9];
	[sflag:s23] =	ssyncadd.s32 $0xFFFFCE00  }
0x92: {  	[hbm4b:s5+s3] =	stream.linear.scatter [tilespmem:s16], [sflag:$0x5], $0x1900, $0x38;
	[tilespmem:$0x15000] =	vst v63  }
0x93: {  	s6 =	rddreg [dreg:$0xa]  }
0x94: {  	[hbm4b:s6+s3] =	stream.linear.scatter [tilespmem:s24], [sflag:$0x5], $0x1900, $0x38;
	[tilespmem:$0x15000] =	vst v63  }
0x95: {  	_ =	swait.ge [sflag:s25], $0x3200  }
0x96: {  	[sflag:s25] =	ssyncset.done $0x0  }
0x97: {  	s7 =	rddreg [dreg:$0xb];
	[sflag:s25] =	ssyncadd.s32 $0xFFFFCE00  }
0x98: {  	[hbm4b:s7+s3] =	stream.linear.scatter [tilespmem:s18], [sflag:$0x6], $0x1900, $0x38;
	[tilespmem:$0x15000] =	vst v63  }
0x99: {  	s8 =	rddreg [dreg:$0xc]  }
0x9a: {  	[hbm4b:s8+s3] =	stream.linear.scatter [tilespmem:s26], [sflag:$0x6], $0x1900, $0x38;
	[tilespmem:$0x15000] =	vst v63  }
0x9b: {  	_ =	swait.ge [sflag:s28], $0x3200  }
0x9c: {  	[sflag:s28] =	ssyncset.done $0x0  }
0x9d: {  	s9 =	rddreg [dreg:$0xd];
	[sflag:s28] =	ssyncadd.s32 $0xFFFFCE00  }
0x9e: {  	[hbm4b:s9+s3] =	stream.linear.scatter [tilespmem:s20], [sflag:$0x7], $0x1900, $0x38;
	[tilespmem:$0x15000] =	vst v63  }
0x9f: {  	s10 =	rddreg [dreg:$0xe]  }
0xa0: {  	[hbm4b:s10+s3] =	stream.linear.scatter [tilespmem:s29], [sflag:$0x7], $0x1900, $0x38;
	[tilespmem:$0x15000] =	vst v63  }
0xa1: {  	_ =	swait.ge [sflag:s30], $0x3200  }
0xa2: {  	[sflag:s30] =	ssyncset.done $0x0  }
0xa3: {  	[sflag:s30] =	ssyncadd.s32 $0xFFFFCE00  }
0xa4: {  	[hbm4b:s11+s3] =	stream.linear.scatter [tilespmem:s22], [sflag:$0x8], $0x1900, $0x38;
	[tilespmem:$0x15000] =	vst v63  }
0xa5: {  	_ = 	snop  }
0xa6: {  	[hbm4b:s12+s3] =	stream.linear.scatter [tilespmem:s31], [sflag:$0x8], $0x1900, $0x38;
	[tilespmem:$0x15000] =	vst v63  }
0xa7: {  	_ =	swait.ge [sflag:s1], $0x1900  }
0xa8: {  	[sflag:s1] =	ssyncset.done $0x0  }
0xa9: {  	[sflag:s1] =	ssyncadd.s32 $0xFFFFE700  }
0xaa: {  	_ =	swait.ge [sflag:s1], $0x1900  }
0xab: {  	[sflag:s1] =	ssyncset.done $0x0  }
0xac: {  	[sflag:s1] =	ssyncadd.s32 $0xFFFFE700  }
0xad: {  	_ =	swait.ge [sflag:s0], $0x1900  }
0xae: {  	[sflag:s0] =	ssyncset.done $0x0  }
0xaf: {  	[sflag:s0] =	ssyncadd.s32 $0xFFFFE700  }
0xb0: {  	_ =	swait.ge [sflag:s0], $0x1900  }
0xb1: {  	[sflag:s0] =	ssyncset.done $0x0  }
0xb2: {  	[sflag:s0] =	ssyncadd.s32 $0xFFFFE700  }
0xb3: {  	_ =	swait.ge [sflag:s17], $0x1900  }
0xb4: {  	[sflag:s17] =	ssyncset.done $0x0  }
0xb5: {  	[sflag:s17] =	ssyncadd.s32 $0xFFFFE700  }
0xb6: {  	_ =	swait.ge [sflag:s17], $0x1900  }
0xb7: {  	[sflag:s17] =	ssyncset.done $0x0  }
0xb8: {  	s21 =	sadd.s32 $0x1, s21;
	[sflag:s17] =	ssyncadd.s32 $0xFFFFE700  }
0xb9: {  	p0 =	sne.s32 s21, s13;
	_ =	swait.ge [sflag:s19], $0x1900  }
.Ltmp1:
0xba: {  	[sflag:s19] =	ssyncset.done $0x0;
	(pc) =	sbr.rel @p0 .LBB2_1-.Ltmp1, $4  }
0xbb: {  	[sflag:s19] =	ssyncadd.s32 $0xFFFFE700  }
0xbc: {  	_ =	swait.ge [sflag:s19], $0x1900  }
0xbd: {  	[sflag:s19] =	ssyncset.done $0x0  }
0xbe: {  	[sflag:s19] =	ssyncadd.s32 $0xFFFFE700  }
0xbf: {  	_ =	sfence.sel $0x180000  }
0xc0: {  	[bflag:$0x0] =	sbarrier.arrive $0xFFFF  }
0xc1: {  	_ =	strace $0x90000047  }
0xc2: {  	s0 =	stileid.u32;
	[bflag:$0x2] =	sbarrier.arrive $0xFFFF  }
0xc3: {  	p0 =	sne.s32 s0, $0x0;
	s0 =	rddreg [dreg:$0x3]  }
0xc4: {  	s0 =	sadd.s32 @!p0 $0x100000, s0  }
0xc5: {  	[sflag:s0] =	ssyncadd.tile.s32 @!p0 $0x1;
	_ =	shalt  }
.Lfunc_end2:
_tile_overlayer_lowered:
.L_overlay_start_2:
0xc6: {  	(tag) =	ssettag $0x2  }
0xc7: {  	s0 =	rddreg [dreg:$0x0];
	s2 =	stileid.u32  }
0xc8: {  	s1 =	rddreg [dreg:$0x1];
	p0 =	sne.s32 s2, $0x0  }
0xc9: {  	s3 =	rddreg [dreg:$0x2];
	[bflag:$0x3] =	sbarrier.arrive $0xFFFF;
	s2 =	simm.s32 @!p0 $0x1C09  }
0xca: {  	[timem:s3], [sflag:s2] =	dma.local @!p0 [hbm:s0], s1  }
0xcb: {  	s0 =	simm.s32 @!p0 $0x9  }
0xcc: {  	_ =	swait.ge @!p0 [sflag:s0], s1  }
0xcd: {  	s1 =	ssub.s32 @!p0 $0x0, s1;
	[sflag:s0] =	ssyncset.done @!p0 $0x0  }
0xce: {  	[sflag:s0] =	ssyncadd.s32 @!p0 s1  }
0xcf: {  	[bflag:$0x3] =	sbarrier.arrive $0xFFFF  }
0xd0: {  	_ =	shalt  }

</sc_bundles>
